<compile_context>
chip_gen: v7x
topology: tpu7x:2x2x1
jax: 0.10.2.dev20260603
libtpu: 0.0.44.dev20260713+nightly
codegen_flags: <defaults>
</compile_context>

<pallas_src>
import functools

import jax
import jax.numpy as jnp
from jax import lax
from jax.experimental import pallas as pl
from jax.experimental.pallas import tpu as pltpu
from jax.experimental.pallas import tpu_sc as plsc

B = 4096
INPUT_DIM = 1024
HIDDEN = 512
ENC_DIM = 256
K = 8192
NBLK = 6

MLP_TILE = 2048
Q_TILE = 1024


def _sqrt_via_rsqrt(w):
    return w * lax.rsqrt(w)


def _ln(v, g, b):
    m = jnp.mean(v, axis=-1, keepdims=True)
    var = jnp.mean((v - m) * (v - m), axis=-1, keepdims=True)
    return (v - m) / _sqrt_via_rsqrt(var + 1e-5) * g + b


def _ln_jax(x, g, b):
    m = jnp.mean(x, axis=-1, keepdims=True)
    v = jnp.var(x, axis=-1, keepdims=True)
    return (x - m) / jnp.sqrt(v + 1e-5) * g + b


def _enc_mlp(p, x):
    h = _ln_jax(x @ p['W0'] + p['b0'], p['g0'], p['be0'])
    for blk in p['blocks']:
        t = jnp.tanh(_ln_jax(h @ blk['W'] + blk['b'], blk['g'], blk['be']))
        t = _ln_jax(t @ blk['W'] + blk['b'], blk['g'], blk['be'])
        h = jnp.tanh(t + h)
    return h @ p['Wf'] + p['bf']


def _dec_body(z_ref, zq_ref, W0_ref, b0_ref, g0_ref, be0_ref, Wb_ref, bb_ref,
              gb_ref, beb_ref, Wf_ref, bf_ref, out_ref):
    x = z_ref[...] + (zq_ref[...] - z_ref[...])
    h = _ln(jnp.dot(x, W0_ref[...]) + b0_ref[...], g0_ref[...], be0_ref[...])
    for i in range(NBLK):
        W = Wb_ref[i]
        b = bb_ref[i]
        g = gb_ref[i]
        be = beb_ref[i]
        t = jnp.tanh(_ln(jnp.dot(h, W) + b, g, be))
        t = _ln(jnp.dot(t, W) + b, g, be)
        h = jnp.tanh(t + h)
    out_ref[...] = jnp.dot(h, Wf_ref[...]) + bf_ref[...]


def _dec_call(z, z_q, p, interpret=False):
    Wb = jnp.stack([blk['W'] for blk in p['blocks']])
    bb = jnp.stack([blk['b'] for blk in p['blocks']])[:, None, :]
    gb = jnp.stack([blk['g'] for blk in p['blocks']])[:, None, :]
    beb = jnp.stack([blk['be'] for blk in p['blocks']])[:, None, :]
    grid = (B // MLP_TILE,)
    full = lambda *shape: pl.BlockSpec(shape, lambda i: (0,) * len(shape))
    return pl.pallas_call(
        _dec_body,
        grid=grid,
        in_specs=[
            pl.BlockSpec((MLP_TILE, ENC_DIM), lambda i: (i, 0)),
            pl.BlockSpec((MLP_TILE, ENC_DIM), lambda i: (i, 0)),
            full(ENC_DIM, HIDDEN),
            full(1, HIDDEN),
            full(1, HIDDEN),
            full(1, HIDDEN),
            full(NBLK, HIDDEN, HIDDEN),
            full(NBLK, 1, HIDDEN),
            full(NBLK, 1, HIDDEN),
            full(NBLK, 1, HIDDEN),
            full(HIDDEN, INPUT_DIM),
            full(1, INPUT_DIM),
        ],
        out_specs=pl.BlockSpec((MLP_TILE, INPUT_DIM), lambda i: (i, 0)),
        out_shape=jax.ShapeDtypeStruct((B, INPUT_DIM), jnp.float32),
        interpret=interpret,
    )(z, z_q, p['W0'], p['b0'][None, :], p['g0'][None, :], p['be0'][None, :],
      Wb, bb, gb, beb, p['Wf'], p['bf'][None, :])


def _quant_body(z_ref, E_ref, idx_ref, en_ref, Eb_ref):
    @pl.when(pl.program_id(0) == 0)
    def _init():
        E = E_ref[...]
        en_ref[...] = _sqrt_via_rsqrt(jnp.sum(E * E, axis=1))[None, :]
        Eb_ref[...] = E.astype(jnp.bfloat16)

    z = z_ref[...]
    zn = _sqrt_via_rsqrt(jnp.sum(z * z, axis=1, keepdims=True))
    zb = z.astype(jnp.bfloat16)
    s = lax.dot_general(zb, Eb_ref[...], (((1,), (1,)), ((), ())),
                        preferred_element_type=jnp.float32)
    d = 1.0 - s / (zn * en_ref[...])
    idx_ref[...] = jnp.argmin(d, axis=1).astype(jnp.int32)[:, None]


def _quant_call(z, E, interpret=False):
    grid = (B // Q_TILE,)
    idx2 = pl.pallas_call(
        _quant_body,
        grid=grid,
        in_specs=[
            pl.BlockSpec((Q_TILE, ENC_DIM), lambda i: (i, 0)),
            pl.BlockSpec((K, ENC_DIM), lambda i: (0, 0)),
        ],
        out_specs=pl.BlockSpec((Q_TILE, 1), lambda i: (i, 0)),
        out_shape=jax.ShapeDtypeStruct((B, 1), jnp.int32),
        scratch_shapes=[
            pltpu.VMEM((1, K), jnp.float32),
            pltpu.VMEM((K, ENC_DIM), jnp.bfloat16),
        ],
        interpret=interpret,
    )(z, E)
    return idx2[:, 0]


def _sc_gather(E, idx):
    info = plsc.get_sparse_core_info()
    nw = info.num_cores * info.num_subcores
    b_per_w = B // nw
    mesh = plsc.VectorSubcoreMesh(core_axis_name="c", subcore_axis_name="s")

    @functools.partial(
        pl.kernel, mesh=mesh,
        out_type=jax.ShapeDtypeStruct((B, ENC_DIM), jnp.float32),
        scratch_types=[
            pltpu.VMEM((b_per_w,), jnp.int32),
            pltpu.VMEM((b_per_w, ENC_DIM), jnp.float32),
            pltpu.SemaphoreType.DMA,
        ],
    )
    def k(table_hbm, idx_hbm, out_hbm, idx_v, rows_v, sem):
        wid = lax.axis_index("s") * info.num_cores + lax.axis_index("c")
        base = wid * b_per_w
        pltpu.sync_copy(idx_hbm.at[pl.ds(base, b_per_w)], idx_v)
        pltpu.async_copy(table_hbm.at[idx_v], rows_v, sem).wait()
        pltpu.sync_copy(rows_v, out_hbm.at[pl.ds(base, b_per_w)])

    return k(E, idx)


def kernel(x, params):
    enc, dec, E = params['enc'], params['dec'], params['emb']
    z = _enc_mlp(enc, x)
    idx = _quant_call(z, E)
    z_q = _sc_gather(E, idx)
    x_recon = _dec_call(z, z_q, dec)
    return (x_recon, z, z_q, idx)

# --- scband reference (transcript-rebuilt; emitter-appended) ---
"""Pipeline reference for scband-sqae-1752346656836 (READ-ONLY COPY).

The authoritative reference and input builder live on the scoring server;
editing this copy changes nothing except your own understanding.
"""

import jax, jax.numpy as jnp
import numpy as np

INPUT_DIM = 1024
HIDDEN = 512
ENC_DIM = 256
K = 8192
NL = 8
B = 4096


def _ln(x, g, b):
    m = jnp.mean(x, axis=-1, keepdims=True)
    v = jnp.var(x, axis=-1, keepdims=True)
    return (x - m) / jnp.sqrt(v + 1e-5) * g + b


def _make_mlp(key, in_dim, hid, out_dim):
    ks = jax.random.split(key, 3)
    p = {}
    p['W0'] = jax.random.normal(ks[0], (in_dim, hid), dtype=jnp.float32) * (1.0 / np.sqrt(in_dim))
    p['b0'] = jnp.zeros((hid,), dtype=jnp.float32)
    p['g0'] = jnp.ones((hid,), dtype=jnp.float32)
    p['be0'] = jnp.zeros((hid,), dtype=jnp.float32)
    blocks = []
    for i in range(NL - 2):
        kw = jax.random.fold_in(ks[1], i)
        blocks.append({
            'W': jax.random.normal(kw, (hid, hid), dtype=jnp.float32) * (1.0 / np.sqrt(hid)),
            'b': jnp.zeros((hid,), dtype=jnp.float32),
            'g': jnp.ones((hid,), dtype=jnp.float32),
            'be': jnp.zeros((hid,), dtype=jnp.float32),
        })
    p['blocks'] = blocks
    p['Wf'] = jax.random.normal(ks[2], (hid, out_dim), dtype=jnp.float32) * (1.0 / np.sqrt(hid))
    p['bf'] = jnp.zeros((out_dim,), dtype=jnp.float32)
    return p


def setup_inputs(seed: int = 0) -> dict:
    key = jax.random.key(seed)
    k1, k2, k3, k4 = jax.random.split(key, 4)
    x = jax.random.normal(k1, (B, INPUT_DIM), dtype=jnp.float32)
    params = {
        'enc': _make_mlp(k2, INPUT_DIM, HIDDEN, ENC_DIM),
        'dec': _make_mlp(k3, ENC_DIM, HIDDEN, INPUT_DIM),
        'emb': jax.random.uniform(k4, (K, ENC_DIM), minval=-1.0 / K, maxval=1.0 / K, dtype=jnp.float32),
    }
    return {'x': x, 'params': params}


def _mlp(p, x):
    # first layer: Linear + LayerNorm (no activation, matching nn.Sequential)
    h = _ln(x @ p['W0'] + p['b0'], p['g0'], p['be0'])
    # residual blocks: fc and norm weights are SHARED within a block (module reuse)
    for blk in p['blocks']:
        t = jnp.tanh(_ln(h @ blk['W'] + blk['b'], blk['g'], blk['be']))
        t = _ln(t @ blk['W'] + blk['b'], blk['g'], blk['be'])
        h = jnp.tanh(t + h)
    return h @ p['Wf'] + p['bf']


def _quantize(z, E):
    zf = z.reshape(-1, ENC_DIM)
    zn = jnp.linalg.norm(zf, axis=1, keepdims=True)
    en = jnp.linalg.norm(E, axis=1)
    d = 1.0 - (zf @ E.T) / (zn * en)
    idx = jnp.argmin(d, axis=1)
    z_q = jnp.take(E, idx, axis=0).reshape(z.shape)
    return z_q, idx.astype(jnp.int32)


def reference(x, params):
    z = _mlp(params['enc'], x)
    z_q, idx = _quantize(z, params['emb'])
    dec_in = z + jax.lax.stop_gradient(z_q - z)
    x_recon = _mlp(params['dec'], dec_in)
    return (x_recon, z, z_q, idx)

if __name__ == "__main__":
    import jax
    _d = setup_inputs()
    print(jax.jit(kernel)(*tuple(_d.values())))

</pallas_src>

<mosaic_0001>
#map = affine_map<(d0, d1) -> (0, 0)>
#map1 = affine_map<(d0, d1) -> (0)>
module attributes {stable_mosaic.version = 14 : i64} {
  func.func @k(%arg0: i32, %arg1: i32, %arg2: memref<8192x256xf32, #tpu.memory_space<hbm>>, %arg3: memref<4096xi32, #tpu.memory_space<hbm>>, %arg4: memref<4096x256xf32, #tpu.memory_space<hbm>>, %arg5: memref<128xi32, #tpu.memory_space<vmem>>, %arg6: memref<128x256xf32, #tpu.memory_space<vmem>>, %arg7: memref<!tpu.dma_semaphore, #tpu.memory_space<semaphore_mem>>) attributes {dimension_semantics = [#tpu.dimension_semantics<core_parallel>, #tpu.dimension_semantics<subcore_parallel>], iteration_bounds = array<i64: 2, 16>, scalar_prefetch = 0 : i64, scratch_operands = 3 : i64, tpu.core_type = #tpu.core_type<sc_vector_subcore>, window_params = [{transform_indices = #map}, {transform_indices = #map1}, {transform_indices = #map}]} {
    %mul3A = arith.constant 2 : i32
    %mul3A_0 = arith.muli %arg1, %mul3A : i32
    %add3A = arith.addi %mul3A_0, %arg0 : i32
    %mul3A_1 = arith.constant 128 : i32
    %mul3A_2 = arith.muli %add3A, %mul3A_1 : i32
    "tpu.region"() ({
      %run_scoped3A = tpu.sem_alloc : memref<!tpu.dma_semaphore, #tpu.memory_space<semaphore_mem>>
      %dma_start3A_7 = tpu.memref_slice %arg3[%mul3A_2] : memref<4096xi32, #tpu.memory_space<hbm>> -> memref<128xi32, #tpu.memory_space<hbm>>
      %dma_start3A_8 = tpu.memref_slice %arg3[%mul3A_2] : memref<4096xi32, #tpu.memory_space<hbm>> -> memref<128xi32, #tpu.memory_space<hbm>>
      tpu.enqueue_dma source(%dma_start3A_8 : memref<128xi32, #tpu.memory_space<hbm>>) target(%arg5 : memref<128xi32, #tpu.memory_space<vmem>>) target_semaphore(%run_scoped3A : memref<!tpu.dma_semaphore, #tpu.memory_space<semaphore_mem>>)
      %dma_wait3A_9 = tpu.memref_slice %arg3[%mul3A_2] : memref<4096xi32, #tpu.memory_space<hbm>> -> memref<128xi32, #tpu.memory_space<hbm>>
      %dma_wait3A_10 = tpu.memref_slice %arg3[%mul3A_2] : memref<4096xi32, #tpu.memory_space<hbm>> -> memref<128xi32, #tpu.memory_space<hbm>>
      tpu.wait_dma2 semaphore(%run_scoped3A : memref<!tpu.dma_semaphore, #tpu.memory_space<semaphore_mem>>) src(%dma_wait3A_10 : memref<128xi32, #tpu.memory_space<hbm>>) dst(%arg5 : memref<128xi32, #tpu.memory_space<vmem>>)
      tpu.yield
    }) : () -> ()
    %dma_start3A = arith.constant 0 : i32
    %dma_start3A_3 = arith.constant 0 : i32
    %dma_start3A_4 = tpu.memref_slice %arg2[%dma_start3A, %dma_start3A_3] : memref<8192x256xf32, #tpu.memory_space<hbm>> -> memref<8192x256xf32, #tpu.memory_space<hbm>>
    tpu.enqueue_indirect_dma source(%dma_start3A_4 : memref<8192x256xf32, #tpu.memory_space<hbm>>) target(%arg6 : memref<128x256xf32, #tpu.memory_space<vmem>>) offsets(%arg5 : memref<128xi32, #tpu.memory_space<vmem>>) semaphore(%arg7 : memref<!tpu.dma_semaphore, #tpu.memory_space<semaphore_mem>>)
    %dma_wait3A = arith.constant 0 : i32
    %dma_wait3A_5 = arith.constant 0 : i32
    %dma_wait3A_6 = tpu.memref_slice %arg2[%dma_wait3A, %dma_wait3A_5] : memref<8192x256xf32, #tpu.memory_space<hbm>> -> memref<8192x256xf32, #tpu.memory_space<hbm>>
    tpu.wait_indirect_dma semaphore(%arg7 : memref<!tpu.dma_semaphore, #tpu.memory_space<semaphore_mem>>) src(%dma_wait3A_6 : memref<8192x256xf32, #tpu.memory_space<hbm>>) dst(%arg6 : memref<128x256xf32, #tpu.memory_space<vmem>>)
    "tpu.region"() ({
      %run_scoped3A = tpu.sem_alloc : memref<!tpu.dma_semaphore, #tpu.memory_space<semaphore_mem>>
      %dma_start3A_7 = arith.constant 0 : i32
      %dma_start3A_8 = tpu.memref_slice %arg4[%mul3A_2, %dma_start3A_7] : memref<4096x256xf32, #tpu.memory_space<hbm>> -> memref<128x256xf32, #tpu.memory_space<hbm>>
      %dma_start3A_9 = arith.constant 0 : i32
      %dma_start3A_10 = tpu.memref_slice %arg4[%mul3A_2, %dma_start3A_9] : memref<4096x256xf32, #tpu.memory_space<hbm>> -> memref<128x256xf32, #tpu.memory_space<hbm>>
      tpu.enqueue_dma source(%arg6 : memref<128x256xf32, #tpu.memory_space<vmem>>) target(%dma_start3A_10 : memref<128x256xf32, #tpu.memory_space<hbm>>) target_semaphore(%run_scoped3A : memref<!tpu.dma_semaphore, #tpu.memory_space<semaphore_mem>>)
      %dma_wait3A_11 = arith.constant 0 : i32
      %dma_wait3A_12 = tpu.memref_slice %arg4[%mul3A_2, %dma_wait3A_11] : memref<4096x256xf32, #tpu.memory_space<hbm>> -> memref<128x256xf32, #tpu.memory_space<hbm>>
      %dma_wait3A_13 = arith.constant 0 : i32
      %dma_wait3A_14 = tpu.memref_slice %arg4[%mul3A_2, %dma_wait3A_13] : memref<4096x256xf32, #tpu.memory_space<hbm>> -> memref<128x256xf32, #tpu.memory_space<hbm>>
      tpu.wait_dma2 semaphore(%run_scoped3A : memref<!tpu.dma_semaphore, #tpu.memory_space<semaphore_mem>>) src(%arg6 : memref<128x256xf32, #tpu.memory_space<vmem>>) dst(%dma_wait3A_14 : memref<128x256xf32, #tpu.memory_space<hbm>>)
      tpu.yield
    }) : () -> ()
    return
  }
}

module attributes {stable_mosaic.version = 14 : i64} {
  func.func @_quant_body(%arg0: i32, %arg1: memref<1024x256xf32, #tpu.memory_space<vmem>>, %arg2: memref<8192x256xf32, #tpu.memory_space<vmem>>, %arg3: memref<1024x1xi32, #tpu.memory_space<vmem>>, %arg4: memref<1x8192xf32, #tpu.memory_space<vmem>>, %arg5: memref<8192x256xbf16, #tpu.memory_space<vmem>>) attributes {dimension_semantics = [#tpu.dimension_semantics<arbitrary>], iteration_bounds = array<i64: 4>, scalar_prefetch = 0 : i64, scratch_operands = 2 : i64, tpu.core_type = #tpu.core_type<tc>, window_params = [{transform_indices = @transform_0, window_bounds = array<i64: 1024, 256>}, {pipeline_mode = #tpu.pipeline_mode<synchronous>, transform_indices = @transform_1, window_bounds = array<i64: 8192, 256>}, {transform_indices = @transform_2, window_bounds = array<i64: 1024, 1>}]} {
    %eq3A = arith.constant 0 : i32
    %eq3A_0 = arith.cmpi eq, %arg0, %eq3A : i32
    %convert_element_type3A = arith.extui %eq3A_0 : i1 to i32
    %cond3A = arith.constant 0 : i32
    %cond3A_1 = arith.cmpi ne, %convert_element_type3A, %cond3A : i32
    scf.if %cond3A_1 {
      %get3A_22 = arith.constant 0 : index
      %get3A_23 = arith.constant 0 : index
      %get3A_24 = vector.load %arg2[%get3A_22, %get3A_23] : memref<8192x256xf32, #tpu.memory_space<vmem>>, vector<8192x256xf32>
      %mul3A_25 = arith.mulf %get3A_24, %get3A_24 : vector<8192x256xf32>
      %reduce_sum3A_26 = arith.constant dense<0.000000e+00> : vector<8192xf32>
      %reduce_sum3A_27 = vector.multi_reduction <add>, %mul3A_25, %reduce_sum3A_26 [1] : vector<8192x256xf32> to vector<8192xf32>
      %rsqrt3A_28 = math.rsqrt %reduce_sum3A_27 : vector<8192xf32>
      %mul3A_29 = arith.mulf %reduce_sum3A_27, %rsqrt3A_28 : vector<8192xf32>
      %broadcast_in_dim3A_30 = vector.shape_cast %mul3A_29 : vector<8192xf32> to vector<1x8192xf32>
      %swap3A_31 = arith.constant 0 : index
      %swap3A_32 = arith.constant 0 : index
      %swap3A_33 = vector.load %arg4[%swap3A_31, %swap3A_32] : memref<1x8192xf32, #tpu.memory_space<vmem>>, vector<1x8192xf32>
      tpu.vector_store %arg4[%swap3A_31, %swap3A_32], %broadcast_in_dim3A_30 {strides = array<i32>} : memref<1x8192xf32, #tpu.memory_space<vmem>>, vector<1x8192xf32>,
      %convert_element_type3A_34 = arith.truncf %get3A_24 : vector<8192x256xf32> to vector<8192x256xbf16>
      %swap3A_35 = arith.constant 0 : index
      %swap3A_36 = arith.constant 0 : index
      %swap3A_37 = vector.load %arg5[%swap3A_35, %swap3A_36] : memref<8192x256xbf16, #tpu.memory_space<vmem>>, vector<8192x256xbf16>
      tpu.vector_store %arg5[%swap3A_35, %swap3A_36], %convert_element_type3A_34 {strides = array<i32>} : memref<8192x256xbf16, #tpu.memory_space<vmem>>, vector<8192x256xbf16>,
    } else {
    }
    %get3A = arith.constant 0 : index
    %get3A_2 = arith.constant 0 : index
    %get3A_3 = vector.load %arg1[%get3A, %get3A_2] : memref<1024x256xf32, #tpu.memory_space<vmem>>, vector<1024x256xf32>
    %mul3A = arith.mulf %get3A_3, %get3A_3 : vector<1024x256xf32>
    %reduce_sum3A = arith.constant dense<0.000000e+00> : vector<1024xf32>
    %reduce_sum3A_4 = vector.multi_reduction <add>, %mul3A, %reduce_sum3A [1] : vector<1024x256xf32> to vector<1024xf32>
    %broadcast_in_dim3A = vector.shape_cast %reduce_sum3A_4 : vector<1024xf32> to vector<1024x1xf32>
    %rsqrt3A = math.rsqrt %broadcast_in_dim3A : vector<1024x1xf32>
    %mul3A_5 = arith.mulf %broadcast_in_dim3A, %rsqrt3A : vector<1024x1xf32>
    %convert_element_type3A_6 = arith.truncf %get3A_3 : vector<1024x256xf32> to vector<1024x256xbf16>
    %get3A_7 = arith.constant 0 : index
    %get3A_8 = arith.constant 0 : index
    %get3A_9 = vector.load %arg5[%get3A_7, %get3A_8] : memref<8192x256xbf16, #tpu.memory_space<vmem>>, vector<8192x256xbf16>
    %dot_general3A = arith.constant dense<0.000000e+00> : vector<1024x8192xf32>
    %dot_general3A_10 = tpu.matmul %convert_element_type3A_6, %get3A_9, %dot_general3A {dimension_numbers = #tpu.dot_dimension_numbers<[1], [1], [0], [0], [0, 0, 1, 0], [], []>, transpose_lhs_hint = false} : vector<1024x256xbf16>, vector<8192x256xbf16>, vector<1024x8192xf32> -> vector<1024x8192xf32>
    %get3A_11 = arith.constant 0 : index
    %get3A_12 = arith.constant 0 : index
    %get3A_13 = vector.load %arg4[%get3A_11, %get3A_12] : memref<1x8192xf32, #tpu.memory_space<vmem>>, vector<1x8192xf32>
    %mul3A_14 = vector.broadcast %mul3A_5 : vector<1024x1xf32> to vector<1024x8192xf32>
    %mul3A_15 = vector.broadcast %get3A_13 : vector<1x8192xf32> to vector<1024x8192xf32>
    %mul3A_16 = arith.mulf %mul3A_14, %mul3A_15 : vector<1024x8192xf32>
    %div3A = arith.divf %dot_general3A_10, %mul3A_16 : vector<1024x8192xf32>
    %sub3A = arith.constant 1.000000e+00 : f32
    %sub3A_17 = vector.broadcast %sub3A : f32 to vector<1024x8192xf32>
    %sub3A_18 = arith.subf %sub3A_17, %div3A : vector<1024x8192xf32>
    %argmin3A = tpu.reduce_index %sub3A_18 {axis = 1 : i32, kind = #tpu.reduction_kind<arg_min>} : vector<1024x8192xf32> -> vector<1024xi32>
    %broadcast_in_dim3A_19 = vector.shape_cast %argmin3A : vector<1024xi32> to vector<1024x1xi32>
    %swap3A = arith.constant 0 : index
    %swap3A_20 = arith.constant 0 : index
    %swap3A_21 = vector.load %arg3[%swap3A, %swap3A_20] : memref<1024x1xi32, #tpu.memory_space<vmem>>, vector<1024x1xi32>
    tpu.vector_store %arg3[%swap3A, %swap3A_20], %broadcast_in_dim3A_19 {strides = array<i32>} : memref<1024x1xi32, #tpu.memory_space<vmem>>, vector<1024x1xi32>,
    return
  }
  func.func @transform_0(%arg0: i32) -> (i32, i32) {
    %c0_i32 = arith.constant 0 : i32
    %c0_i32_0 = arith.constant 0 : i32
    return %arg0, %c0_i32 : i32, i32
  }
  func.func @transform_1(%arg0: i32) -> (i32, i32) {
    %c0_i32 = arith.constant 0 : i32
    %c0_i32_0 = arith.constant 0 : i32
    %c0_i32_1 = arith.constant 0 : i32
    return %c0_i32, %c0_i32_0 : i32, i32
  }
  func.func @transform_2(%arg0: i32) -> (i32, i32) {
    %c0_i32 = arith.constant 0 : i32
    %c0_i32_0 = arith.constant 0 : i32
    return %arg0, %c0_i32 : i32, i32
  }
}

module attributes {stable_mosaic.version = 14 : i64} {
  func.func @_dec_body(%arg0: i32, %arg1: memref<2048x256xf32, #tpu.memory_space<vmem>>, %arg2: memref<2048x256xf32, #tpu.memory_space<vmem>>, %arg3: memref<256x512xf32, #tpu.memory_space<vmem>>, %arg4: memref<1x512xf32, #tpu.memory_space<vmem>>, %arg5: memref<1x512xf32, #tpu.memory_space<vmem>>, %arg6: memref<1x512xf32, #tpu.memory_space<vmem>>, %arg7: memref<6x512x512xf32, #tpu.memory_space<vmem>>, %arg8: memref<6x1x512xf32, #tpu.memory_space<vmem>>, %arg9: memref<6x1x512xf32, #tpu.memory_space<vmem>>, %arg10: memref<6x1x512xf32, #tpu.memory_space<vmem>>, %arg11: memref<512x1024xf32, #tpu.memory_space<vmem>>, %arg12: memref<1x1024xf32, #tpu.memory_space<vmem>>, %arg13: memref<2048x1024xf32, #tpu.memory_space<vmem>>) attributes {dimension_semantics = [#tpu.dimension_semantics<arbitrary>], iteration_bounds = array<i64: 2>, scalar_prefetch = 0 : i64, scratch_operands = 0 : i64, tpu.core_type = #tpu.core_type<tc>, window_params = [{transform_indices = @transform_0, window_bounds = array<i64: 2048, 256>}, {transform_indices = @transform_1, window_bounds = array<i64: 2048, 256>}, {pipeline_mode = #tpu.pipeline_mode<synchronous>, transform_indices = @transform_2, window_bounds = array<i64: 256, 512>}, {pipeline_mode = #tpu.pipeline_mode<synchronous>, transform_indices = @transform_3, window_bounds = array<i64: 1, 512>}, {pipeline_mode = #tpu.pipeline_mode<synchronous>, transform_indices = @transform_4, window_bounds = array<i64: 1, 512>}, {pipeline_mode = #tpu.pipeline_mode<synchronous>, transform_indices = @transform_5, window_bounds = array<i64: 1, 512>}, {pipeline_mode = #tpu.pipeline_mode<synchronous>, transform_indices = @transform_6, window_bounds = array<i64: 6, 512, 512>}, {pipeline_mode = #tpu.pipeline_mode<synchronous>, transform_indices = @transform_7, window_bounds = array<i64: 6, 1, 512>}, {pipeline_mode = #tpu.pipeline_mode<synchronous>, transform_indices = @transform_8, window_bounds = array<i64: 6, 1, 512>}, {pipeline_mode = #tpu.pipeline_mode<synchronous>, transform_indices = @transform_9, window_bounds = array<i64: 6, 1, 512>}, {pipeline_mode = #tpu.pipeline_mode<synchronous>, transform_indices = @transform_10, window_bounds = array<i64: 512, 1024>}, {pipeline_mode = #tpu.pipeline_mode<synchronous>, transform_indices = @transform_11, window_bounds = array<i64: 1, 1024>}, {transform_indices = @transform_12, window_bounds = array<i64: 2048, 1024>}]} {
    %get3A = arith.constant 0 : index
    %get3A_0 = arith.constant 0 : index
    %get3A_1 = vector.load %arg1[%get3A, %get3A_0] : memref<2048x256xf32, #tpu.memory_space<vmem>>, vector<2048x256xf32>
    %get3A_2 = arith.constant 0 : index
    %get3A_3 = arith.constant 0 : index
    %get3A_4 = vector.load %arg2[%get3A_2, %get3A_3] : memref<2048x256xf32, #tpu.memory_space<vmem>>, vector<2048x256xf32>
    %get3A_5 = arith.constant 0 : index
    %get3A_6 = arith.constant 0 : index
    %get3A_7 = vector.load %arg1[%get3A_5, %get3A_6] : memref<2048x256xf32, #tpu.memory_space<vmem>>, vector<2048x256xf32>
    %sub3A = arith.subf %get3A_4, %get3A_7 : vector<2048x256xf32>
    %add3A = arith.addf %get3A_1, %sub3A : vector<2048x256xf32>
    %get3A_8 = arith.constant 0 : index
    %get3A_9 = arith.constant 0 : index
    %get3A_10 = vector.load %arg3[%get3A_8, %get3A_9] : memref<256x512xf32, #tpu.memory_space<vmem>>, vector<256x512xf32>
    %dot_general3A = arith.constant dense<0.000000e+00> : vector<2048x512xf32>
    %dot_general3A_11 = tpu.matmul %add3A, %get3A_10, %dot_general3A {dimension_numbers = #tpu.dot_dimension_numbers<[1], [0], [0], [1], [0, 0, 1, 1], [], []>, transpose_lhs_hint = false} : vector<2048x256xf32>, vector<256x512xf32>, vector<2048x512xf32> -> vector<2048x512xf32>
    %get3A_12 = arith.constant 0 : index
    %get3A_13 = arith.constant 0 : index
    %get3A_14 = vector.load %arg4[%get3A_12, %get3A_13] : memref<1x512xf32, #tpu.memory_space<vmem>>, vector<1x512xf32>
    %add3A_15 = vector.broadcast %get3A_14 : vector<1x512xf32> to vector<2048x512xf32>
    %add3A_16 = arith.addf %dot_general3A_11, %add3A_15 : vector<2048x512xf32>
    %get3A_17 = arith.constant 0 : index
    %get3A_18 = arith.constant 0 : index
    %get3A_19 = vector.load %arg5[%get3A_17, %get3A_18] : memref<1x512xf32, #tpu.memory_space<vmem>>, vector<1x512xf32>
    %get3A_20 = arith.constant 0 : index
    %get3A_21 = arith.constant 0 : index
    %get3A_22 = vector.load %arg6[%get3A_20, %get3A_21] : memref<1x512xf32, #tpu.memory_space<vmem>>, vector<1x512xf32>
    %reduce_sum3A = arith.constant dense<0.000000e+00> : vector<2048xf32>
    %reduce_sum3A_23 = vector.multi_reduction <add>, %add3A_16, %reduce_sum3A [1] : vector<2048x512xf32> to vector<2048xf32>
    %broadcast_in_dim3A = vector.shape_cast %reduce_sum3A_23 : vector<2048xf32> to vector<2048x1xf32>
    %div3A = arith.constant 5.120000e+02 : f32
    %div3A_24 = vector.broadcast %div3A : f32 to vector<2048x1xf32>
    %div3A_25 = arith.divf %broadcast_in_dim3A, %div3A_24 : vector<2048x1xf32>
    %jit3A = arith.constant 0 : i32
    %reduce_sum3A_26 = arith.constant dense<0.000000e+00> : vector<2048xf32>
    %reduce_sum3A_27 = vector.multi_reduction <add>, %add3A_16, %reduce_sum3A_26 [1] : vector<2048x512xf32> to vector<2048xf32>
    %broadcast_in_dim3A_28 = vector.shape_cast %reduce_sum3A_27 : vector<2048xf32> to vector<2048x1xf32>
    %div3A_29 = arith.constant 5.120000e+02 : f32
    %div3A_30 = vector.broadcast %div3A_29 : f32 to vector<2048x1xf32>
    %div3A_31 = arith.divf %broadcast_in_dim3A_28, %div3A_30 : vector<2048x1xf32>
    %sub3A_32 = vector.broadcast %div3A_31 : vector<2048x1xf32> to vector<2048x512xf32>
    %sub3A_33 = arith.subf %add3A_16, %sub3A_32 : vector<2048x512xf32>
    %square3A = arith.mulf %sub3A_33, %sub3A_33 : vector<2048x512xf32>
    %convert_element_type3A = arith.sitofp %jit3A : i32 to f32
    %sub3A_34 = arith.constant 5.120000e+02 : f32
    %sub3A_35 = arith.subf %sub3A_34, %convert_element_type3A : f32
    %reduce_sum3A_36 = arith.constant dense<0.000000e+00> : vector<2048xf32>
    %reduce_sum3A_37 = vector.multi_reduction <add>, %square3A, %reduce_sum3A_36 [1] : vector<2048x512xf32> to vector<2048xf32>
    %broadcast_in_dim3A_38 = vector.shape_cast %reduce_sum3A_37 : vector<2048xf32> to vector<2048x1xf32>
    %div3A_39 = vector.broadcast %sub3A_35 : f32 to vector<2048x1xf32>
    %div3A_40 = arith.divf %broadcast_in_dim3A_38, %div3A_39 : vector<2048x1xf32>
    %gt3A = arith.constant 0.000000e+00 : f32
    %gt3A_41 = arith.cmpf ogt, %sub3A_35, %gt3A : f32
    %jit3A_42 = arith.constant 0x7FC00000 : f32
    %broadcast_in_dim3A_43 = vector.broadcast %jit3A_42 : f32 to vector<2048x1xf32>
    %select_n3A = arith.select %gt3A_41, %div3A_40, %broadcast_in_dim3A_43 : vector<2048x1xf32>
    %sub3A_44 = vector.broadcast %div3A_25 : vector<2048x1xf32> to vector<2048x512xf32>
    %sub3A_45 = arith.subf %add3A_16, %sub3A_44 : vector<2048x512xf32>
    %add3A_46 = arith.constant 9.99999974E-6 : f32
    %add3A_47 = vector.broadcast %add3A_46 : f32 to vector<2048x1xf32>
    %add3A_48 = arith.addf %select_n3A, %add3A_47 : vector<2048x1xf32>
    %sqrt3A = math.sqrt %add3A_48 : vector<2048x1xf32>
    %div3A_49 = vector.broadcast %sqrt3A : vector<2048x1xf32> to vector<2048x512xf32>
    %div3A_50 = arith.divf %sub3A_45, %div3A_49 : vector<2048x512xf32>
    %mul3A = vector.broadcast %get3A_19 : vector<1x512xf32> to vector<2048x512xf32>
    %mul3A_51 = arith.mulf %div3A_50, %mul3A : vector<2048x512xf32>
    %add3A_52 = vector.broadcast %get3A_22 : vector<1x512xf32> to vector<2048x512xf32>
    %add3A_53 = arith.addf %mul3A_51, %add3A_52 : vector<2048x512xf32>
    %get3A_54 = arith.constant 0 : index
    %get3A_55 = arith.constant 0 : index
    %get3A_56 = arith.constant 0 : index
    %get3A_57 = vector.load %arg7[%get3A_54, %get3A_55, %get3A_56] : memref<6x512x512xf32, #tpu.memory_space<vmem>>, vector<1x512x512xf32>
    %get3A_58 = vector.shape_cast %get3A_57 : vector<1x512x512xf32> to vector<512x512xf32>
    %get3A_59 = arith.constant 0 : index
    %get3A_60 = arith.constant 0 : index
    %get3A_61 = arith.constant 0 : index
    %get3A_62 = vector.load %arg8[%get3A_59, %get3A_60, %get3A_61] : memref<6x1x512xf32, #tpu.memory_space<vmem>>, vector<1x1x512xf32>
    %get3A_63 = vector.shape_cast %get3A_62 : vector<1x1x512xf32> to vector<1x512xf32>
    %get3A_64 = arith.constant 0 : index
    %get3A_65 = arith.constant 0 : index
    %get3A_66 = arith.constant 0 : index
    %get3A_67 = vector.load %arg9[%get3A_64, %get3A_65, %get3A_66] : memref<6x1x512xf32, #tpu.memory_space<vmem>>, vector<1x1x512xf32>
    %get3A_68 = vector.shape_cast %get3A_67 : vector<1x1x512xf32> to vector<1x512xf32>
    %get3A_69 = arith.constant 0 : index
    %get3A_70 = arith.constant 0 : index
    %get3A_71 = arith.constant 0 : index
    %get3A_72 = vector.load %arg10[%get3A_69, %get3A_70, %get3A_71] : memref<6x1x512xf32, #tpu.memory_space<vmem>>, vector<1x1x512xf32>
    %get3A_73 = vector.shape_cast %get3A_72 : vector<1x1x512xf32> to vector<1x512xf32>
    %dot_general3A_74 = arith.constant dense<0.000000e+00> : vector<2048x512xf32>
    %dot_general3A_75 = tpu.matmul %add3A_53, %get3A_58, %dot_general3A_74 {dimension_numbers = #tpu.dot_dimension_numbers<[1], [0], [0], [1], [0, 0, 1, 1], [], []>, transpose_lhs_hint = false} : vector<2048x512xf32>, vector<512x512xf32>, vector<2048x512xf32> -> vector<2048x512xf32>
    %add3A_76 = vector.broadcast %get3A_63 : vector<1x512xf32> to vector<2048x512xf32>
    %add3A_77 = arith.addf %dot_general3A_75, %add3A_76 : vector<2048x512xf32>
    %reduce_sum3A_78 = arith.constant dense<0.000000e+00> : vector<2048xf32>
    %reduce_sum3A_79 = vector.multi_reduction <add>, %add3A_77, %reduce_sum3A_78 [1] : vector<2048x512xf32> to vector<2048xf32>
    %broadcast_in_dim3A_80 = vector.shape_cast %reduce_sum3A_79 : vector<2048xf32> to vector<2048x1xf32>
    %div3A_81 = arith.constant 5.120000e+02 : f32
    %div3A_82 = vector.broadcast %div3A_81 : f32 to vector<2048x1xf32>
    %div3A_83 = arith.divf %broadcast_in_dim3A_80, %div3A_82 : vector<2048x1xf32>
    %jit3A_84 = arith.constant 0 : i32
    %reduce_sum3A_85 = arith.constant dense<0.000000e+00> : vector<2048xf32>
    %reduce_sum3A_86 = vector.multi_reduction <add>, %add3A_77, %reduce_sum3A_85 [1] : vector<2048x512xf32> to vector<2048xf32>
    %broadcast_in_dim3A_87 = vector.shape_cast %reduce_sum3A_86 : vector<2048xf32> to vector<2048x1xf32>
    %div3A_88 = arith.constant 5.120000e+02 : f32
    %div3A_89 = vector.broadcast %div3A_88 : f32 to vector<2048x1xf32>
    %div3A_90 = arith.divf %broadcast_in_dim3A_87, %div3A_89 : vector<2048x1xf32>
    %sub3A_91 = vector.broadcast %div3A_90 : vector<2048x1xf32> to vector<2048x512xf32>
    %sub3A_92 = arith.subf %add3A_77, %sub3A_91 : vector<2048x512xf32>
    %square3A_93 = arith.mulf %sub3A_92, %sub3A_92 : vector<2048x512xf32>
    %convert_element_type3A_94 = arith.sitofp %jit3A_84 : i32 to f32
    %sub3A_95 = arith.constant 5.120000e+02 : f32
    %sub3A_96 = arith.subf %sub3A_95, %convert_element_type3A_94 : f32
    %reduce_sum3A_97 = arith.constant dense<0.000000e+00> : vector<2048xf32>
    %reduce_sum3A_98 = vector.multi_reduction <add>, %square3A_93, %reduce_sum3A_97 [1] : vector<2048x512xf32> to vector<2048xf32>
    %broadcast_in_dim3A_99 = vector.shape_cast %reduce_sum3A_98 : vector<2048xf32> to vector<2048x1xf32>
    %div3A_100 = vector.broadcast %sub3A_96 : f32 to vector<2048x1xf32>
    %div3A_101 = arith.divf %broadcast_in_dim3A_99, %div3A_100 : vector<2048x1xf32>
    %gt3A_102 = arith.constant 0.000000e+00 : f32
    %gt3A_103 = arith.cmpf ogt, %sub3A_96, %gt3A_102 : f32
    %jit3A_104 = arith.constant 0x7FC00000 : f32
    %broadcast_in_dim3A_105 = vector.broadcast %jit3A_104 : f32 to vector<2048x1xf32>
    %select_n3A_106 = arith.select %gt3A_103, %div3A_101, %broadcast_in_dim3A_105 : vector<2048x1xf32>
    %sub3A_107 = vector.broadcast %div3A_83 : vector<2048x1xf32> to vector<2048x512xf32>
    %sub3A_108 = arith.subf %add3A_77, %sub3A_107 : vector<2048x512xf32>
    %add3A_109 = arith.constant 9.99999974E-6 : f32
    %add3A_110 = vector.broadcast %add3A_109 : f32 to vector<2048x1xf32>
    %add3A_111 = arith.addf %select_n3A_106, %add3A_110 : vector<2048x1xf32>
    %sqrt3A_112 = math.sqrt %add3A_111 : vector<2048x1xf32>
    %div3A_113 = vector.broadcast %sqrt3A_112 : vector<2048x1xf32> to vector<2048x512xf32>
    %div3A_114 = arith.divf %sub3A_108, %div3A_113 : vector<2048x512xf32>
    %mul3A_115 = vector.broadcast %get3A_68 : vector<1x512xf32> to vector<2048x512xf32>
    %mul3A_116 = arith.mulf %div3A_114, %mul3A_115 : vector<2048x512xf32>
    %add3A_117 = vector.broadcast %get3A_73 : vector<1x512xf32> to vector<2048x512xf32>
    %add3A_118 = arith.addf %mul3A_116, %add3A_117 : vector<2048x512xf32>
    %tanh3A = math.tanh %add3A_118 : vector<2048x512xf32>
    %dot_general3A_119 = arith.constant dense<0.000000e+00> : vector<2048x512xf32>
    %dot_general3A_120 = tpu.matmul %tanh3A, %get3A_58, %dot_general3A_119 {dimension_numbers = #tpu.dot_dimension_numbers<[1], [0], [0], [1], [0, 0, 1, 1], [], []>, transpose_lhs_hint = false} : vector<2048x512xf32>, vector<512x512xf32>, vector<2048x512xf32> -> vector<2048x512xf32>
    %add3A_121 = vector.broadcast %get3A_63 : vector<1x512xf32> to vector<2048x512xf32>
    %add3A_122 = arith.addf %dot_general3A_120, %add3A_121 : vector<2048x512xf32>
    %reduce_sum3A_123 = arith.constant dense<0.000000e+00> : vector<2048xf32>
    %reduce_sum3A_124 = vector.multi_reduction <add>, %add3A_122, %reduce_sum3A_123 [1] : vector<2048x512xf32> to vector<2048xf32>
    %broadcast_in_dim3A_125 = vector.shape_cast %reduce_sum3A_124 : vector<2048xf32> to vector<2048x1xf32>
    %div3A_126 = arith.constant 5.120000e+02 : f32
    %div3A_127 = vector.broadcast %div3A_126 : f32 to vector<2048x1xf32>
    %div3A_128 = arith.divf %broadcast_in_dim3A_125, %div3A_127 : vector<2048x1xf32>
    %jit3A_129 = arith.constant 0 : i32
    %reduce_sum3A_130 = arith.constant dense<0.000000e+00> : vector<2048xf32>
    %reduce_sum3A_131 = vector.multi_reduction <add>, %add3A_122, %reduce_sum3A_130 [1] : vector<2048x512xf32> to vector<2048xf32>
    %broadcast_in_dim3A_132 = vector.shape_cast %reduce_sum3A_131 : vector<2048xf32> to vector<2048x1xf32>
    %div3A_133 = arith.constant 5.120000e+02 : f32
    %div3A_134 = vector.broadcast %div3A_133 : f32 to vector<2048x1xf32>
    %div3A_135 = arith.divf %broadcast_in_dim3A_132, %div3A_134 : vector<2048x1xf32>
    %sub3A_136 = vector.broadcast %div3A_135 : vector<2048x1xf32> to vector<2048x512xf32>
    %sub3A_137 = arith.subf %add3A_122, %sub3A_136 : vector<2048x512xf32>
    %square3A_138 = arith.mulf %sub3A_137, %sub3A_137 : vector<2048x512xf32>
    %convert_element_type3A_139 = arith.sitofp %jit3A_129 : i32 to f32
    %sub3A_140 = arith.constant 5.120000e+02 : f32
    %sub3A_141 = arith.subf %sub3A_140, %convert_element_type3A_139 : f32
    %reduce_sum3A_142 = arith.constant dense<0.000000e+00> : vector<2048xf32>
    %reduce_sum3A_143 = vector.multi_reduction <add>, %square3A_138, %reduce_sum3A_142 [1] : vector<2048x512xf32> to vector<2048xf32>
    %broadcast_in_dim3A_144 = vector.shape_cast %reduce_sum3A_143 : vector<2048xf32> to vector<2048x1xf32>
    %div3A_145 = vector.broadcast %sub3A_141 : f32 to vector<2048x1xf32>
    %div3A_146 = arith.divf %broadcast_in_dim3A_144, %div3A_145 : vector<2048x1xf32>
    %gt3A_147 = arith.constant 0.000000e+00 : f32
    %gt3A_148 = arith.cmpf ogt, %sub3A_141, %gt3A_147 : f32
    %jit3A_149 = arith.constant 0x7FC00000 : f32
    %broadcast_in_dim3A_150 = vector.broadcast %jit3A_149 : f32 to vector<2048x1xf32>
    %select_n3A_151 = arith.select %gt3A_148, %div3A_146, %broadcast_in_dim3A_150 : vector<2048x1xf32>
    %sub3A_152 = vector.broadcast %div3A_128 : vector<2048x1xf32> to vector<2048x512xf32>
    %sub3A_153 = arith.subf %add3A_122, %sub3A_152 : vector<2048x512xf32>
    %add3A_154 = arith.constant 9.99999974E-6 : f32
    %add3A_155 = vector.broadcast %add3A_154 : f32 to vector<2048x1xf32>
    %add3A_156 = arith.addf %select_n3A_151, %add3A_155 : vector<2048x1xf32>
    %sqrt3A_157 = math.sqrt %add3A_156 : vector<2048x1xf32>
    %div3A_158 = vector.broadcast %sqrt3A_157 : vector<2048x1xf32> to vector<2048x512xf32>
    %div3A_159 = arith.divf %sub3A_153, %div3A_158 : vector<2048x512xf32>
    %mul3A_160 = vector.broadcast %get3A_68 : vector<1x512xf32> to vector<2048x512xf32>
    %mul3A_161 = arith.mulf %div3A_159, %mul3A_160 : vector<2048x512xf32>
    %add3A_162 = vector.broadcast %get3A_73 : vector<1x512xf32> to vector<2048x512xf32>
    %add3A_163 = arith.addf %mul3A_161, %add3A_162 : vector<2048x512xf32>
    %add3A_164 = arith.addf %add3A_163, %add3A_53 : vector<2048x512xf32>
    %tanh3A_165 = math.tanh %add3A_164 : vector<2048x512xf32>
    %get3A_166 = arith.constant 1 : index
    %get3A_167 = arith.constant 0 : index
    %get3A_168 = arith.constant 0 : index
    %get3A_169 = vector.load %arg7[%get3A_166, %get3A_167, %get3A_168] : memref<6x512x512xf32, #tpu.memory_space<vmem>>, vector<1x512x512xf32>
    %get3A_170 = vector.shape_cast %get3A_169 : vector<1x512x512xf32> to vector<512x512xf32>
    %get3A_171 = arith.constant 1 : index
    %get3A_172 = arith.constant 0 : index
    %get3A_173 = arith.constant 0 : index
    %get3A_174 = vector.load %arg8[%get3A_171, %get3A_172, %get3A_173] : memref<6x1x512xf32, #tpu.memory_space<vmem>>, vector<1x1x512xf32>
    %get3A_175 = vector.shape_cast %get3A_174 : vector<1x1x512xf32> to vector<1x512xf32>
    %get3A_176 = arith.constant 1 : index
    %get3A_177 = arith.constant 0 : index
    %get3A_178 = arith.constant 0 : index
    %get3A_179 = vector.load %arg9[%get3A_176, %get3A_177, %get3A_178] : memref<6x1x512xf32, #tpu.memory_space<vmem>>, vector<1x1x512xf32>
    %get3A_180 = vector.shape_cast %get3A_179 : vector<1x1x512xf32> to vector<1x512xf32>
    %get3A_181 = arith.constant 1 : index
    %get3A_182 = arith.constant 0 : index
    %get3A_183 = arith.constant 0 : index
    %get3A_184 = vector.load %arg10[%get3A_181, %get3A_182, %get3A_183] : memref<6x1x512xf32, #tpu.memory_space<vmem>>, vector<1x1x512xf32>
    %get3A_185 = vector.shape_cast %get3A_184 : vector<1x1x512xf32> to vector<1x512xf32>
    %dot_general3A_186 = arith.constant dense<0.000000e+00> : vector<2048x512xf32>
    %dot_general3A_187 = tpu.matmul %tanh3A_165, %get3A_170, %dot_general3A_186 {dimension_numbers = #tpu.dot_dimension_numbers<[1], [0], [0], [1], [0, 0, 1, 1], [], []>, transpose_lhs_hint = false} : vector<2048x512xf32>, vector<512x512xf32>, vector<2048x512xf32> -> vector<2048x512xf32>
    %add3A_188 = vector.broadcast %get3A_175 : vector<1x512xf32> to vector<2048x512xf32>
    %add3A_189 = arith.addf %dot_general3A_187, %add3A_188 : vector<2048x512xf32>
    %reduce_sum3A_190 = arith.constant dense<0.000000e+00> : vector<2048xf32>
    %reduce_sum3A_191 = vector.multi_reduction <add>, %add3A_189, %reduce_sum3A_190 [1] : vector<2048x512xf32> to vector<2048xf32>
    %broadcast_in_dim3A_192 = vector.shape_cast %reduce_sum3A_191 : vector<2048xf32> to vector<2048x1xf32>
    %div3A_193 = arith.constant 5.120000e+02 : f32
    %div3A_194 = vector.broadcast %div3A_193 : f32 to vector<2048x1xf32>
    %div3A_195 = arith.divf %broadcast_in_dim3A_192, %div3A_194 : vector<2048x1xf32>
    %jit3A_196 = arith.constant 0 : i32
    %reduce_sum3A_197 = arith.constant dense<0.000000e+00> : vector<2048xf32>
    %reduce_sum3A_198 = vector.multi_reduction <add>, %add3A_189, %reduce_sum3A_197 [1] : vector<2048x512xf32> to vector<2048xf32>
    %broadcast_in_dim3A_199 = vector.shape_cast %reduce_sum3A_198 : vector<2048xf32> to vector<2048x1xf32>
    %div3A_200 = arith.constant 5.120000e+02 : f32
    %div3A_201 = vector.broadcast %div3A_200 : f32 to vector<2048x1xf32>
    %div3A_202 = arith.divf %broadcast_in_dim3A_199, %div3A_201 : vector<2048x1xf32>
    %sub3A_203 = vector.broadcast %div3A_202 : vector<2048x1xf32> to vector<2048x512xf32>
    %sub3A_204 = arith.subf %add3A_189, %sub3A_203 : vector<2048x512xf32>
    %square3A_205 = arith.mulf %sub3A_204, %sub3A_204 : vector<2048x512xf32>
    %convert_element_type3A_206 = arith.sitofp %jit3A_196 : i32 to f32
    %sub3A_207 = arith.constant 5.120000e+02 : f32
    %sub3A_208 = arith.subf %sub3A_207, %convert_element_type3A_206 : f32
    %reduce_sum3A_209 = arith.constant dense<0.000000e+00> : vector<2048xf32>
    %reduce_sum3A_210 = vector.multi_reduction <add>, %square3A_205, %reduce_sum3A_209 [1] : vector<2048x512xf32> to vector<2048xf32>
    %broadcast_in_dim3A_211 = vector.shape_cast %reduce_sum3A_210 : vector<2048xf32> to vector<2048x1xf32>
    %div3A_212 = vector.broadcast %sub3A_208 : f32 to vector<2048x1xf32>
    %div3A_213 = arith.divf %broadcast_in_dim3A_211, %div3A_212 : vector<2048x1xf32>
    %gt3A_214 = arith.constant 0.000000e+00 : f32
    %gt3A_215 = arith.cmpf ogt, %sub3A_208, %gt3A_214 : f32
    %jit3A_216 = arith.constant 0x7FC00000 : f32
    %broadcast_in_dim3A_217 = vector.broadcast %jit3A_216 : f32 to vector<2048x1xf32>
    %select_n3A_218 = arith.select %gt3A_215, %div3A_213, %broadcast_in_dim3A_217 : vector<2048x1xf32>
    %sub3A_219 = vector.broadcast %div3A_195 : vector<2048x1xf32> to vector<2048x512xf32>
    %sub3A_220 = arith.subf %add3A_189, %sub3A_219 : vector<2048x512xf32>
    %add3A_221 = arith.constant 9.99999974E-6 : f32
    %add3A_222 = vector.broadcast %add3A_221 : f32 to vector<2048x1xf32>
    %add3A_223 = arith.addf %select_n3A_218, %add3A_222 : vector<2048x1xf32>
    %sqrt3A_224 = math.sqrt %add3A_223 : vector<2048x1xf32>
    %div3A_225 = vector.broadcast %sqrt3A_224 : vector<2048x1xf32> to vector<2048x512xf32>
    %div3A_226 = arith.divf %sub3A_220, %div3A_225 : vector<2048x512xf32>
    %mul3A_227 = vector.broadcast %get3A_180 : vector<1x512xf32> to vector<2048x512xf32>
    %mul3A_228 = arith.mulf %div3A_226, %mul3A_227 : vector<2048x512xf32>
    %add3A_229 = vector.broadcast %get3A_185 : vector<1x512xf32> to vector<2048x512xf32>
    %add3A_230 = arith.addf %mul3A_228, %add3A_229 : vector<2048x512xf32>
    %tanh3A_231 = math.tanh %add3A_230 : vector<2048x512xf32>
    %dot_general3A_232 = arith.constant dense<0.000000e+00> : vector<2048x512xf32>
    %dot_general3A_233 = tpu.matmul %tanh3A_231, %get3A_170, %dot_general3A_232 {dimension_numbers = #tpu.dot_dimension_numbers<[1], [0], [0], [1], [0, 0, 1, 1], [], []>, transpose_lhs_hint = false} : vector<2048x512xf32>, vector<512x512xf32>, vector<2048x512xf32> -> vector<2048x512xf32>
    %add3A_234 = vector.broadcast %get3A_175 : vector<1x512xf32> to vector<2048x512xf32>
    %add3A_235 = arith.addf %dot_general3A_233, %add3A_234 : vector<2048x512xf32>
    %reduce_sum3A_236 = arith.constant dense<0.000000e+00> : vector<2048xf32>
    %reduce_sum3A_237 = vector.multi_reduction <add>, %add3A_235, %reduce_sum3A_236 [1] : vector<2048x512xf32> to vector<2048xf32>
    %broadcast_in_dim3A_238 = vector.shape_cast %reduce_sum3A_237 : vector<2048xf32> to vector<2048x1xf32>
    %div3A_239 = arith.constant 5.120000e+02 : f32
    %div3A_240 = vector.broadcast %div3A_239 : f32 to vector<2048x1xf32>
    %div3A_241 = arith.divf %broadcast_in_dim3A_238, %div3A_240 : vector<2048x1xf32>
    %jit3A_242 = arith.constant 0 : i32
    %reduce_sum3A_243 = arith.constant dense<0.000000e+00> : vector<2048xf32>
    %reduce_sum3A_244 = vector.multi_reduction <add>, %add3A_235, %reduce_sum3A_243 [1] : vector<2048x512xf32> to vector<2048xf32>
    %broadcast_in_dim3A_245 = vector.shape_cast %reduce_sum3A_244 : vector<2048xf32> to vector<2048x1xf32>
    %div3A_246 = arith.constant 5.120000e+02 : f32
    %div3A_247 = vector.broadcast %div3A_246 : f32 to vector<2048x1xf32>
    %div3A_248 = arith.divf %broadcast_in_dim3A_245, %div3A_247 : vector<2048x1xf32>
    %sub3A_249 = vector.broadcast %div3A_248 : vector<2048x1xf32> to vector<2048x512xf32>
    %sub3A_250 = arith.subf %add3A_235, %sub3A_249 : vector<2048x512xf32>
    %square3A_251 = arith.mulf %sub3A_250, %sub3A_250 : vector<2048x512xf32>
    %convert_element_type3A_252 = arith.sitofp %jit3A_242 : i32 to f32
    %sub3A_253 = arith.constant 5.120000e+02 : f32
    %sub3A_254 = arith.subf %sub3A_253, %convert_element_type3A_252 : f32
    %reduce_sum3A_255 = arith.constant dense<0.000000e+00> : vector<2048xf32>
    %reduce_sum3A_256 = vector.multi_reduction <add>, %square3A_251, %reduce_sum3A_255 [1] : vector<2048x512xf32> to vector<2048xf32>
    %broadcast_in_dim3A_257 = vector.shape_cast %reduce_sum3A_256 : vector<2048xf32> to vector<2048x1xf32>
    %div3A_258 = vector.broadcast %sub3A_254 : f32 to vector<2048x1xf32>
    %div3A_259 = arith.divf %broadcast_in_dim3A_257, %div3A_258 : vector<2048x1xf32>
    %gt3A_260 = arith.constant 0.000000e+00 : f32
    %gt3A_261 = arith.cmpf ogt, %sub3A_254, %gt3A_260 : f32
    %jit3A_262 = arith.constant 0x7FC00000 : f32
    %broadcast_in_dim3A_263 = vector.broadcast %jit3A_262 : f32 to vector<2048x1xf32>
    %select_n3A_264 = arith.select %gt3A_261, %div3A_259, %broadcast_in_dim3A_263 : vector<2048x1xf32>
    %sub3A_265 = vector.broadcast %div3A_241 : vector<2048x1xf32> to vector<2048x512xf32>
    %sub3A_266 = arith.subf %add3A_235, %sub3A_265 : vector<2048x512xf32>
    %add3A_267 = arith.constant 9.99999974E-6 : f32
    %add3A_268 = vector.broadcast %add3A_267 : f32 to vector<2048x1xf32>
    %add3A_269 = arith.addf %select_n3A_264, %add3A_268 : vector<2048x1xf32>
    %sqrt3A_270 = math.sqrt %add3A_269 : vector<2048x1xf32>
    %div3A_271 = vector.broadcast %sqrt3A_270 : vector<2048x1xf32> to vector<2048x512xf32>
    %div3A_272 = arith.divf %sub3A_266, %div3A_271 : vector<2048x512xf32>
    %mul3A_273 = vector.broadcast %get3A_180 : vector<1x512xf32> to vector<2048x512xf32>
    %mul3A_274 = arith.mulf %div3A_272, %mul3A_273 : vector<2048x512xf32>
    %add3A_275 = vector.broadcast %get3A_185 : vector<1x512xf32> to vector<2048x512xf32>
    %add3A_276 = arith.addf %mul3A_274, %add3A_275 : vector<2048x512xf32>
    %add3A_277 = arith.addf %add3A_276, %tanh3A_165 : vector<2048x512xf32>
    %tanh3A_278 = math.tanh %add3A_277 : vector<2048x512xf32>
    %get3A_279 = arith.constant 2 : index
    %get3A_280 = arith.constant 0 : index
    %get3A_281 = arith.constant 0 : index
    %get3A_282 = vector.load %arg7[%get3A_279, %get3A_280, %get3A_281] : memref<6x512x512xf32, #tpu.memory_space<vmem>>, vector<1x512x512xf32>
    %get3A_283 = vector.shape_cast %get3A_282 : vector<1x512x512xf32> to vector<512x512xf32>
    %get3A_284 = arith.constant 2 : index
    %get3A_285 = arith.constant 0 : index
    %get3A_286 = arith.constant 0 : index
    %get3A_287 = vector.load %arg8[%get3A_284, %get3A_285, %get3A_286] : memref<6x1x512xf32, #tpu.memory_space<vmem>>, vector<1x1x512xf32>
    %get3A_288 = vector.shape_cast %get3A_287 : vector<1x1x512xf32> to vector<1x512xf32>
    %get3A_289 = arith.constant 2 : index
    %get3A_290 = arith.constant 0 : index
    %get3A_291 = arith.constant 0 : index
    %get3A_292 = vector.load %arg9[%get3A_289, %get3A_290, %get3A_291] : memref<6x1x512xf32, #tpu.memory_space<vmem>>, vector<1x1x512xf32>
    %get3A_293 = vector.shape_cast %get3A_292 : vector<1x1x512xf32> to vector<1x512xf32>
    %get3A_294 = arith.constant 2 : index
    %get3A_295 = arith.constant 0 : index
    %get3A_296 = arith.constant 0 : index
    %get3A_297 = vector.load %arg10[%get3A_294, %get3A_295, %get3A_296] : memref<6x1x512xf32, #tpu.memory_space<vmem>>, vector<1x1x512xf32>
    %get3A_298 = vector.shape_cast %get3A_297 : vector<1x1x512xf32> to vector<1x512xf32>
    %dot_general3A_299 = arith.constant dense<0.000000e+00> : vector<2048x512xf32>
    %dot_general3A_300 = tpu.matmul %tanh3A_278, %get3A_283, %dot_general3A_299 {dimension_numbers = #tpu.dot_dimension_numbers<[1], [0], [0], [1], [0, 0, 1, 1], [], []>, transpose_lhs_hint = false} : vector<2048x512xf32>, vector<512x512xf32>, vector<2048x512xf32> -> vector<2048x512xf32>
    %add3A_301 = vector.broadcast %get3A_288 : vector<1x512xf32> to vector<2048x512xf32>
    %add3A_302 = arith.addf %dot_general3A_300, %add3A_301 : vector<2048x512xf32>
    %reduce_sum3A_303 = arith.constant dense<0.000000e+00> : vector<2048xf32>
    %reduce_sum3A_304 = vector.multi_reduction <add>, %add3A_302, %reduce_sum3A_303 [1] : vector<2048x512xf32> to vector<2048xf32>
    %broadcast_in_dim3A_305 = vector.shape_cast %reduce_sum3A_304 : vector<2048xf32> to vector<2048x1xf32>
    %div3A_306 = arith.constant 5.120000e+02 : f32
    %div3A_307 = vector.broadcast %div3A_306 : f32 to vector<2048x1xf32>
    %div3A_308 = arith.divf %broadcast_in_dim3A_305, %div3A_307 : vector<2048x1xf32>
    %jit3A_309 = arith.constant 0 : i32
    %reduce_sum3A_310 = arith.constant dense<0.000000e+00> : vector<2048xf32>
    %reduce_sum3A_311 = vector.multi_reduction <add>, %add3A_302, %reduce_sum3A_310 [1] : vector<2048x512xf32> to vector<2048xf32>
    %broadcast_in_dim3A_312 = vector.shape_cast %reduce_sum3A_311 : vector<2048xf32> to vector<2048x1xf32>
    %div3A_313 = arith.constant 5.120000e+02 : f32
    %div3A_314 = vector.broadcast %div3A_313 : f32 to vector<2048x1xf32>
    %div3A_315 = arith.divf %broadcast_in_dim3A_312, %div3A_314 : vector<2048x1xf32>
    %sub3A_316 = vector.broadcast %div3A_315 : vector<2048x1xf32> to vector<2048x512xf32>
    %sub3A_317 = arith.subf %add3A_302, %sub3A_316 : vector<2048x512xf32>
    %square3A_318 = arith.mulf %sub3A_317, %sub3A_317 : vector<2048x512xf32>
    %convert_element_type3A_319 = arith.sitofp %jit3A_309 : i32 to f32
    %sub3A_320 = arith.constant 5.120000e+02 : f32
    %sub3A_321 = arith.subf %sub3A_320, %convert_element_type3A_319 : f32
    %reduce_sum3A_322 = arith.constant dense<0.000000e+00> : vector<2048xf32>
    %reduce_sum3A_323 = vector.multi_reduction <add>, %square3A_318, %reduce_sum3A_322 [1] : vector<2048x512xf32> to vector<2048xf32>
    %broadcast_in_dim3A_324 = vector.shape_cast %reduce_sum3A_323 : vector<2048xf32> to vector<2048x1xf32>
    %div3A_325 = vector.broadcast %sub3A_321 : f32 to vector<2048x1xf32>
    %div3A_326 = arith.divf %broadcast_in_dim3A_324, %div3A_325 : vector<2048x1xf32>
    %gt3A_327 = arith.constant 0.000000e+00 : f32
    %gt3A_328 = arith.cmpf ogt, %sub3A_321, %gt3A_327 : f32
    %jit3A_329 = arith.constant 0x7FC00000 : f32
    %broadcast_in_dim3A_330 = vector.broadcast %jit3A_329 : f32 to vector<2048x1xf32>
    %select_n3A_331 = arith.select %gt3A_328, %div3A_326, %broadcast_in_dim3A_330 : vector<2048x1xf32>
    %sub3A_332 = vector.broadcast %div3A_308 : vector<2048x1xf32> to vector<2048x512xf32>
    %sub3A_333 = arith.subf %add3A_302, %sub3A_332 : vector<2048x512xf32>
    %add3A_334 = arith.constant 9.99999974E-6 : f32
    %add3A_335 = vector.broadcast %add3A_334 : f32 to vector<2048x1xf32>
    %add3A_336 = arith.addf %select_n3A_331, %add3A_335 : vector<2048x1xf32>
    %sqrt3A_337 = math.sqrt %add3A_336 : vector<2048x1xf32>
    %div3A_338 = vector.broadcast %sqrt3A_337 : vector<2048x1xf32> to vector<2048x512xf32>
    %div3A_339 = arith.divf %sub3A_333, %div3A_338 : vector<2048x512xf32>
    %mul3A_340 = vector.broadcast %get3A_293 : vector<1x512xf32> to vector<2048x512xf32>
    %mul3A_341 = arith.mulf %div3A_339, %mul3A_340 : vector<2048x512xf32>
    %add3A_342 = vector.broadcast %get3A_298 : vector<1x512xf32> to vector<2048x512xf32>
    %add3A_343 = arith.addf %mul3A_341, %add3A_342 : vector<2048x512xf32>
    %tanh3A_344 = math.tanh %add3A_343 : vector<2048x512xf32>
    %dot_general3A_345 = arith.constant dense<0.000000e+00> : vector<2048x512xf32>
    %dot_general3A_346 = tpu.matmul %tanh3A_344, %get3A_283, %dot_general3A_345 {dimension_numbers = #tpu.dot_dimension_numbers<[1], [0], [0], [1], [0, 0, 1, 1], [], []>, transpose_lhs_hint = false} : vector<2048x512xf32>, vector<512x512xf32>, vector<2048x512xf32> -> vector<2048x512xf32>
    %add3A_347 = vector.broadcast %get3A_288 : vector<1x512xf32> to vector<2048x512xf32>
    %add3A_348 = arith.addf %dot_general3A_346, %add3A_347 : vector<2048x512xf32>
    %reduce_sum3A_349 = arith.constant dense<0.000000e+00> : vector<2048xf32>
    %reduce_sum3A_350 = vector.multi_reduction <add>, %add3A_348, %reduce_sum3A_349 [1] : vector<2048x512xf32> to vector<2048xf32>
    %broadcast_in_dim3A_351 = vector.shape_cast %reduce_sum3A_350 : vector<2048xf32> to vector<2048x1xf32>
    %div3A_352 = arith.constant 5.120000e+02 : f32
    %div3A_353 = vector.broadcast %div3A_352 : f32 to vector<2048x1xf32>
    %div3A_354 = arith.divf %broadcast_in_dim3A_351, %div3A_353 : vector<2048x1xf32>
    %jit3A_355 = arith.constant 0 : i32
    %reduce_sum3A_356 = arith.constant dense<0.000000e+00> : vector<2048xf32>
    %reduce_sum3A_357 = vector.multi_reduction <add>, %add3A_348, %reduce_sum3A_356 [1] : vector<2048x512xf32> to vector<2048xf32>
    %broadcast_in_dim3A_358 = vector.shape_cast %reduce_sum3A_357 : vector<2048xf32> to vector<2048x1xf32>
    %div3A_359 = arith.constant 5.120000e+02 : f32
    %div3A_360 = vector.broadcast %div3A_359 : f32 to vector<2048x1xf32>
    %div3A_361 = arith.divf %broadcast_in_dim3A_358, %div3A_360 : vector<2048x1xf32>
    %sub3A_362 = vector.broadcast %div3A_361 : vector<2048x1xf32> to vector<2048x512xf32>
    %sub3A_363 = arith.subf %add3A_348, %sub3A_362 : vector<2048x512xf32>
    %square3A_364 = arith.mulf %sub3A_363, %sub3A_363 : vector<2048x512xf32>
    %convert_element_type3A_365 = arith.sitofp %jit3A_355 : i32 to f32
    %sub3A_366 = arith.constant 5.120000e+02 : f32
    %sub3A_367 = arith.subf %sub3A_366, %convert_element_type3A_365 : f32
    %reduce_sum3A_368 = arith.constant dense<0.000000e+00> : vector<2048xf32>
    %reduce_sum3A_369 = vector.multi_reduction <add>, %square3A_364, %reduce_sum3A_368 [1] : vector<2048x512xf32> to vector<2048xf32>
    %broadcast_in_dim3A_370 = vector.shape_cast %reduce_sum3A_369 : vector<2048xf32> to vector<2048x1xf32>
    %div3A_371 = vector.broadcast %sub3A_367 : f32 to vector<2048x1xf32>
    %div3A_372 = arith.divf %broadcast_in_dim3A_370, %div3A_371 : vector<2048x1xf32>
    %gt3A_373 = arith.constant 0.000000e+00 : f32
    %gt3A_374 = arith.cmpf ogt, %sub3A_367, %gt3A_373 : f32
    %jit3A_375 = arith.constant 0x7FC00000 : f32
    %broadcast_in_dim3A_376 = vector.broadcast %jit3A_375 : f32 to vector<2048x1xf32>
    %select_n3A_377 = arith.select %gt3A_374, %div3A_372, %broadcast_in_dim3A_376 : vector<2048x1xf32>
    %sub3A_378 = vector.broadcast %div3A_354 : vector<2048x1xf32> to vector<2048x512xf32>
    %sub3A_379 = arith.subf %add3A_348, %sub3A_378 : vector<2048x512xf32>
    %add3A_380 = arith.constant 9.99999974E-6 : f32
    %add3A_381 = vector.broadcast %add3A_380 : f32 to vector<2048x1xf32>
    %add3A_382 = arith.addf %select_n3A_377, %add3A_381 : vector<2048x1xf32>
    %sqrt3A_383 = math.sqrt %add3A_382 : vector<2048x1xf32>
    %div3A_384 = vector.broadcast %sqrt3A_383 : vector<2048x1xf32> to vector<2048x512xf32>
    %div3A_385 = arith.divf %sub3A_379, %div3A_384 : vector<2048x512xf32>
    %mul3A_386 = vector.broadcast %get3A_293 : vector<1x512xf32> to vector<2048x512xf32>
    %mul3A_387 = arith.mulf %div3A_385, %mul3A_386 : vector<2048x512xf32>
    %add3A_388 = vector.broadcast %get3A_298 : vector<1x512xf32> to vector<2048x512xf32>
    %add3A_389 = arith.addf %mul3A_387, %add3A_388 : vector<2048x512xf32>
    %add3A_390 = arith.addf %add3A_389, %tanh3A_278 : vector<2048x512xf32>
    %tanh3A_391 = math.tanh %add3A_390 : vector<2048x512xf32>
    %get3A_392 = arith.constant 3 : index
    %get3A_393 = arith.constant 0 : index
    %get3A_394 = arith.constant 0 : index
    %get3A_395 = vector.load %arg7[%get3A_392, %get3A_393, %get3A_394] : memref<6x512x512xf32, #tpu.memory_space<vmem>>, vector<1x512x512xf32>
    %get3A_396 = vector.shape_cast %get3A_395 : vector<1x512x512xf32> to vector<512x512xf32>
    %get3A_397 = arith.constant 3 : index
    %get3A_398 = arith.constant 0 : index
    %get3A_399 = arith.constant 0 : index
    %get3A_400 = vector.load %arg8[%get3A_397, %get3A_398, %get3A_399] : memref<6x1x512xf32, #tpu.memory_space<vmem>>, vector<1x1x512xf32>
    %get3A_401 = vector.shape_cast %get3A_400 : vector<1x1x512xf32> to vector<1x512xf32>
    %get3A_402 = arith.constant 3 : index
    %get3A_403 = arith.constant 0 : index
    %get3A_404 = arith.constant 0 : index
    %get3A_405 = vector.load %arg9[%get3A_402, %get3A_403, %get3A_404] : memref<6x1x512xf32, #tpu.memory_space<vmem>>, vector<1x1x512xf32>
    %get3A_406 = vector.shape_cast %get3A_405 : vector<1x1x512xf32> to vector<1x512xf32>
    %get3A_407 = arith.constant 3 : index
    %get3A_408 = arith.constant 0 : index
    %get3A_409 = arith.constant 0 : index
    %get3A_410 = vector.load %arg10[%get3A_407, %get3A_408, %get3A_409] : memref<6x1x512xf32, #tpu.memory_space<vmem>>, vector<1x1x512xf32>
    %get3A_411 = vector.shape_cast %get3A_410 : vector<1x1x512xf32> to vector<1x512xf32>
    %dot_general3A_412 = arith.constant dense<0.000000e+00> : vector<2048x512xf32>
    %dot_general3A_413 = tpu.matmul %tanh3A_391, %get3A_396, %dot_general3A_412 {dimension_numbers = #tpu.dot_dimension_numbers<[1], [0], [0], [1], [0, 0, 1, 1], [], []>, transpose_lhs_hint = false} : vector<2048x512xf32>, vector<512x512xf32>, vector<2048x512xf32> -> vector<2048x512xf32>
    %add3A_414 = vector.broadcast %get3A_401 : vector<1x512xf32> to vector<2048x512xf32>
    %add3A_415 = arith.addf %dot_general3A_413, %add3A_414 : vector<2048x512xf32>
    %reduce_sum3A_416 = arith.constant dense<0.000000e+00> : vector<2048xf32>
    %reduce_sum3A_417 = vector.multi_reduction <add>, %add3A_415, %reduce_sum3A_416 [1] : vector<2048x512xf32> to vector<2048xf32>
    %broadcast_in_dim3A_418 = vector.shape_cast %reduce_sum3A_417 : vector<2048xf32> to vector<2048x1xf32>
    %div3A_419 = arith.constant 5.120000e+02 : f32
    %div3A_420 = vector.broadcast %div3A_419 : f32 to vector<2048x1xf32>
    %div3A_421 = arith.divf %broadcast_in_dim3A_418, %div3A_420 : vector<2048x1xf32>
    %jit3A_422 = arith.constant 0 : i32
    %reduce_sum3A_423 = arith.constant dense<0.000000e+00> : vector<2048xf32>
    %reduce_sum3A_424 = vector.multi_reduction <add>, %add3A_415, %reduce_sum3A_423 [1] : vector<2048x512xf32> to vector<2048xf32>
    %broadcast_in_dim3A_425 = vector.shape_cast %reduce_sum3A_424 : vector<2048xf32> to vector<2048x1xf32>
    %div3A_426 = arith.constant 5.120000e+02 : f32
    %div3A_427 = vector.broadcast %div3A_426 : f32 to vector<2048x1xf32>
    %div3A_428 = arith.divf %broadcast_in_dim3A_425, %div3A_427 : vector<2048x1xf32>
    %sub3A_429 = vector.broadcast %div3A_428 : vector<2048x1xf32> to vector<2048x512xf32>
    %sub3A_430 = arith.subf %add3A_415, %sub3A_429 : vector<2048x512xf32>
    %square3A_431 = arith.mulf %sub3A_430, %sub3A_430 : vector<2048x512xf32>
    %convert_element_type3A_432 = arith.sitofp %jit3A_422 : i32 to f32
    %sub3A_433 = arith.constant 5.120000e+02 : f32
    %sub3A_434 = arith.subf %sub3A_433, %convert_element_type3A_432 : f32
    %reduce_sum3A_435 = arith.constant dense<0.000000e+00> : vector<2048xf32>
    %reduce_sum3A_436 = vector.multi_reduction <add>, %square3A_431, %reduce_sum3A_435 [1] : vector<2048x512xf32> to vector<2048xf32>
    %broadcast_in_dim3A_437 = vector.shape_cast %reduce_sum3A_436 : vector<2048xf32> to vector<2048x1xf32>
    %div3A_438 = vector.broadcast %sub3A_434 : f32 to vector<2048x1xf32>
    %div3A_439 = arith.divf %broadcast_in_dim3A_437, %div3A_438 : vector<2048x1xf32>
    %gt3A_440 = arith.constant 0.000000e+00 : f32
    %gt3A_441 = arith.cmpf ogt, %sub3A_434, %gt3A_440 : f32
    %jit3A_442 = arith.constant 0x7FC00000 : f32
    %broadcast_in_dim3A_443 = vector.broadcast %jit3A_442 : f32 to vector<2048x1xf32>
    %select_n3A_444 = arith.select %gt3A_441, %div3A_439, %broadcast_in_dim3A_443 : vector<2048x1xf32>
    %sub3A_445 = vector.broadcast %div3A_421 : vector<2048x1xf32> to vector<2048x512xf32>
    %sub3A_446 = arith.subf %add3A_415, %sub3A_445 : vector<2048x512xf32>
    %add3A_447 = arith.constant 9.99999974E-6 : f32
    %add3A_448 = vector.broadcast %add3A_447 : f32 to vector<2048x1xf32>
    %add3A_449 = arith.addf %select_n3A_444, %add3A_448 : vector<2048x1xf32>
    %sqrt3A_450 = math.sqrt %add3A_449 : vector<2048x1xf32>
    %div3A_451 = vector.broadcast %sqrt3A_450 : vector<2048x1xf32> to vector<2048x512xf32>
    %div3A_452 = arith.divf %sub3A_446, %div3A_451 : vector<2048x512xf32>
    %mul3A_453 = vector.broadcast %get3A_406 : vector<1x512xf32> to vector<2048x512xf32>
    %mul3A_454 = arith.mulf %div3A_452, %mul3A_453 : vector<2048x512xf32>
    %add3A_455 = vector.broadcast %get3A_411 : vector<1x512xf32> to vector<2048x512xf32>
    %add3A_456 = arith.addf %mul3A_454, %add3A_455 : vector<2048x512xf32>
    %tanh3A_457 = math.tanh %add3A_456 : vector<2048x512xf32>
    %dot_general3A_458 = arith.constant dense<0.000000e+00> : vector<2048x512xf32>
    %dot_general3A_459 = tpu.matmul %tanh3A_457, %get3A_396, %dot_general3A_458 {dimension_numbers = #tpu.dot_dimension_numbers<[1], [0], [0], [1], [0, 0, 1, 1], [], []>, transpose_lhs_hint = false} : vector<2048x512xf32>, vector<512x512xf32>, vector<2048x512xf32> -> vector<2048x512xf32>
    %add3A_460 = vector.broadcast %get3A_401 : vector<1x512xf32> to vector<2048x512xf32>
    %add3A_461 = arith.addf %dot_general3A_459, %add3A_460 : vector<2048x512xf32>
    %reduce_sum3A_462 = arith.constant dense<0.000000e+00> : vector<2048xf32>
    %reduce_sum3A_463 = vector.multi_reduction <add>, %add3A_461, %reduce_sum3A_462 [1] : vector<2048x512xf32> to vector<2048xf32>
    %broadcast_in_dim3A_464 = vector.shape_cast %reduce_sum3A_463 : vector<2048xf32> to vector<2048x1xf32>
    %div3A_465 = arith.constant 5.120000e+02 : f32
    %div3A_466 = vector.broadcast %div3A_465 : f32 to vector<2048x1xf32>
    %div3A_467 = arith.divf %broadcast_in_dim3A_464, %div3A_466 : vector<2048x1xf32>
    %jit3A_468 = arith.constant 0 : i32
    %reduce_sum3A_469 = arith.constant dense<0.000000e+00> : vector<2048xf32>
    %reduce_sum3A_470 = vector.multi_reduction <add>, %add3A_461, %reduce_sum3A_469 [1] : vector<2048x512xf32> to vector<2048xf32>
    %broadcast_in_dim3A_471 = vector.shape_cast %reduce_sum3A_470 : vector<2048xf32> to vector<2048x1xf32>
    %div3A_472 = arith.constant 5.120000e+02 : f32
    %div3A_473 = vector.broadcast %div3A_472 : f32 to vector<2048x1xf32>
    %div3A_474 = arith.divf %broadcast_in_dim3A_471, %div3A_473 : vector<2048x1xf32>
    %sub3A_475 = vector.broadcast %div3A_474 : vector<2048x1xf32> to vector<2048x512xf32>
    %sub3A_476 = arith.subf %add3A_461, %sub3A_475 : vector<2048x512xf32>
    %square3A_477 = arith.mulf %sub3A_476, %sub3A_476 : vector<2048x512xf32>
    %convert_element_type3A_478 = arith.sitofp %jit3A_468 : i32 to f32
    %sub3A_479 = arith.constant 5.120000e+02 : f32
    %sub3A_480 = arith.subf %sub3A_479, %convert_element_type3A_478 : f32
    %reduce_sum3A_481 = arith.constant dense<0.000000e+00> : vector<2048xf32>
    %reduce_sum3A_482 = vector.multi_reduction <add>, %square3A_477, %reduce_sum3A_481 [1] : vector<2048x512xf32> to vector<2048xf32>
    %broadcast_in_dim3A_483 = vector.shape_cast %reduce_sum3A_482 : vector<2048xf32> to vector<2048x1xf32>
    %div3A_484 = vector.broadcast %sub3A_480 : f32 to vector<2048x1xf32>
    %div3A_485 = arith.divf %broadcast_in_dim3A_483, %div3A_484 : vector<2048x1xf32>
    %gt3A_486 = arith.constant 0.000000e+00 : f32
    %gt3A_487 = arith.cmpf ogt, %sub3A_480, %gt3A_486 : f32
    %jit3A_488 = arith.constant 0x7FC00000 : f32
    %broadcast_in_dim3A_489 = vector.broadcast %jit3A_488 : f32 to vector<2048x1xf32>
    %select_n3A_490 = arith.select %gt3A_487, %div3A_485, %broadcast_in_dim3A_489 : vector<2048x1xf32>
    %sub3A_491 = vector.broadcast %div3A_467 : vector<2048x1xf32> to vector<2048x512xf32>
    %sub3A_492 = arith.subf %add3A_461, %sub3A_491 : vector<2048x512xf32>
    %add3A_493 = arith.constant 9.99999974E-6 : f32
    %add3A_494 = vector.broadcast %add3A_493 : f32 to vector<2048x1xf32>
    %add3A_495 = arith.addf %select_n3A_490, %add3A_494 : vector<2048x1xf32>
    %sqrt3A_496 = math.sqrt %add3A_495 : vector<2048x1xf32>
    %div3A_497 = vector.broadcast %sqrt3A_496 : vector<2048x1xf32> to vector<2048x512xf32>
    %div3A_498 = arith.divf %sub3A_492, %div3A_497 : vector<2048x512xf32>
    %mul3A_499 = vector.broadcast %get3A_406 : vector<1x512xf32> to vector<2048x512xf32>
    %mul3A_500 = arith.mulf %div3A_498, %mul3A_499 : vector<2048x512xf32>
    %add3A_501 = vector.broadcast %get3A_411 : vector<1x512xf32> to vector<2048x512xf32>
    %add3A_502 = arith.addf %mul3A_500, %add3A_501 : vector<2048x512xf32>
    %add3A_503 = arith.addf %add3A_502, %tanh3A_391 : vector<2048x512xf32>
    %tanh3A_504 = math.tanh %add3A_503 : vector<2048x512xf32>
    %get3A_505 = arith.constant 4 : index
    %get3A_506 = arith.constant 0 : index
    %get3A_507 = arith.constant 0 : index
    %get3A_508 = vector.load %arg7[%get3A_505, %get3A_506, %get3A_507] : memref<6x512x512xf32, #tpu.memory_space<vmem>>, vector<1x512x512xf32>
    %get3A_509 = vector.shape_cast %get3A_508 : vector<1x512x512xf32> to vector<512x512xf32>
    %get3A_510 = arith.constant 4 : index
    %get3A_511 = arith.constant 0 : index
    %get3A_512 = arith.constant 0 : index
    %get3A_513 = vector.load %arg8[%get3A_510, %get3A_511, %get3A_512] : memref<6x1x512xf32, #tpu.memory_space<vmem>>, vector<1x1x512xf32>
    %get3A_514 = vector.shape_cast %get3A_513 : vector<1x1x512xf32> to vector<1x512xf32>
    %get3A_515 = arith.constant 4 : index
    %get3A_516 = arith.constant 0 : index
    %get3A_517 = arith.constant 0 : index
    %get3A_518 = vector.load %arg9[%get3A_515, %get3A_516, %get3A_517] : memref<6x1x512xf32, #tpu.memory_space<vmem>>, vector<1x1x512xf32>
    %get3A_519 = vector.shape_cast %get3A_518 : vector<1x1x512xf32> to vector<1x512xf32>
    %get3A_520 = arith.constant 4 : index
    %get3A_521 = arith.constant 0 : index
    %get3A_522 = arith.constant 0 : index
    %get3A_523 = vector.load %arg10[%get3A_520, %get3A_521, %get3A_522] : memref<6x1x512xf32, #tpu.memory_space<vmem>>, vector<1x1x512xf32>
    %get3A_524 = vector.shape_cast %get3A_523 : vector<1x1x512xf32> to vector<1x512xf32>
    %dot_general3A_525 = arith.constant dense<0.000000e+00> : vector<2048x512xf32>
    %dot_general3A_526 = tpu.matmul %tanh3A_504, %get3A_509, %dot_general3A_525 {dimension_numbers = #tpu.dot_dimension_numbers<[1], [0], [0], [1], [0, 0, 1, 1], [], []>, transpose_lhs_hint = false} : vector<2048x512xf32>, vector<512x512xf32>, vector<2048x512xf32> -> vector<2048x512xf32>
    %add3A_527 = vector.broadcast %get3A_514 : vector<1x512xf32> to vector<2048x512xf32>
    %add3A_528 = arith.addf %dot_general3A_526, %add3A_527 : vector<2048x512xf32>
    %reduce_sum3A_529 = arith.constant dense<0.000000e+00> : vector<2048xf32>
    %reduce_sum3A_530 = vector.multi_reduction <add>, %add3A_528, %reduce_sum3A_529 [1] : vector<2048x512xf32> to vector<2048xf32>
    %broadcast_in_dim3A_531 = vector.shape_cast %reduce_sum3A_530 : vector<2048xf32> to vector<2048x1xf32>
    %div3A_532 = arith.constant 5.120000e+02 : f32
    %div3A_533 = vector.broadcast %div3A_532 : f32 to vector<2048x1xf32>
    %div3A_534 = arith.divf %broadcast_in_dim3A_531, %div3A_533 : vector<2048x1xf32>
    %jit3A_535 = arith.constant 0 : i32
    %reduce_sum3A_536 = arith.constant dense<0.000000e+00> : vector<2048xf32>
    %reduce_sum3A_537 = vector.multi_reduction <add>, %add3A_528, %reduce_sum3A_536 [1] : vector<2048x512xf32> to vector<2048xf32>
    %broadcast_in_dim3A_538 = vector.shape_cast %reduce_sum3A_537 : vector<2048xf32> to vector<2048x1xf32>
    %div3A_539 = arith.constant 5.120000e+02 : f32
    %div3A_540 = vector.broadcast %div3A_539 : f32 to vector<2048x1xf32>
    %div3A_541 = arith.divf %broadcast_in_dim3A_538, %div3A_540 : vector<2048x1xf32>
    %sub3A_542 = vector.broadcast %div3A_541 : vector<2048x1xf32> to vector<2048x512xf32>
    %sub3A_543 = arith.subf %add3A_528, %sub3A_542 : vector<2048x512xf32>
    %square3A_544 = arith.mulf %sub3A_543, %sub3A_543 : vector<2048x512xf32>
    %convert_element_type3A_545 = arith.sitofp %jit3A_535 : i32 to f32
    %sub3A_546 = arith.constant 5.120000e+02 : f32
    %sub3A_547 = arith.subf %sub3A_546, %convert_element_type3A_545 : f32
    %reduce_sum3A_548 = arith.constant dense<0.000000e+00> : vector<2048xf32>
    %reduce_sum3A_549 = vector.multi_reduction <add>, %square3A_544, %reduce_sum3A_548 [1] : vector<2048x512xf32> to vector<2048xf32>
    %broadcast_in_dim3A_550 = vector.shape_cast %reduce_sum3A_549 : vector<2048xf32> to vector<2048x1xf32>
    %div3A_551 = vector.broadcast %sub3A_547 : f32 to vector<2048x1xf32>
    %div3A_552 = arith.divf %broadcast_in_dim3A_550, %div3A_551 : vector<2048x1xf32>
    %gt3A_553 = arith.constant 0.000000e+00 : f32
    %gt3A_554 = arith.cmpf ogt, %sub3A_547, %gt3A_553 : f32
    %jit3A_555 = arith.constant 0x7FC00000 : f32
    %broadcast_in_dim3A_556 = vector.broadcast %jit3A_555 : f32 to vector<2048x1xf32>
    %select_n3A_557 = arith.select %gt3A_554, %div3A_552, %broadcast_in_dim3A_556 : vector<2048x1xf32>
    %sub3A_558 = vector.broadcast %div3A_534 : vector<2048x1xf32> to vector<2048x512xf32>
    %sub3A_559 = arith.subf %add3A_528, %sub3A_558 : vector<2048x512xf32>
    %add3A_560 = arith.constant 9.99999974E-6 : f32
    %add3A_561 = vector.broadcast %add3A_560 : f32 to vector<2048x1xf32>
    %add3A_562 = arith.addf %select_n3A_557, %add3A_561 : vector<2048x1xf32>
    %sqrt3A_563 = math.sqrt %add3A_562 : vector<2048x1xf32>
    %div3A_564 = vector.broadcast %sqrt3A_563 : vector<2048x1xf32> to vector<2048x512xf32>
    %div3A_565 = arith.divf %sub3A_559, %div3A_564 : vector<2048x512xf32>
    %mul3A_566 = vector.broadcast %get3A_519 : vector<1x512xf32> to vector<2048x512xf32>
    %mul3A_567 = arith.mulf %div3A_565, %mul3A_566 : vector<2048x512xf32>
    %add3A_568 = vector.broadcast %get3A_524 : vector<1x512xf32> to vector<2048x512xf32>
    %add3A_569 = arith.addf %mul3A_567, %add3A_568 : vector<2048x512xf32>
    %tanh3A_570 = math.tanh %add3A_569 : vector<2048x512xf32>
    %dot_general3A_571 = arith.constant dense<0.000000e+00> : vector<2048x512xf32>
    %dot_general3A_572 = tpu.matmul %tanh3A_570, %get3A_509, %dot_general3A_571 {dimension_numbers = #tpu.dot_dimension_numbers<[1], [0], [0], [1], [0, 0, 1, 1], [], []>, transpose_lhs_hint = false} : vector<2048x512xf32>, vector<512x512xf32>, vector<2048x512xf32> -> vector<2048x512xf32>
    %add3A_573 = vector.broadcast %get3A_514 : vector<1x512xf32> to vector<2048x512xf32>
    %add3A_574 = arith.addf %dot_general3A_572, %add3A_573 : vector<2048x512xf32>
    %reduce_sum3A_575 = arith.constant dense<0.000000e+00> : vector<2048xf32>
    %reduce_sum3A_576 = vector.multi_reduction <add>, %add3A_574, %reduce_sum3A_575 [1] : vector<2048x512xf32> to vector<2048xf32>
    %broadcast_in_dim3A_577 = vector.shape_cast %reduce_sum3A_576 : vector<2048xf32> to vector<2048x1xf32>
    %div3A_578 = arith.constant 5.120000e+02 : f32
    %div3A_579 = vector.broadcast %div3A_578 : f32 to vector<2048x1xf32>
    %div3A_580 = arith.divf %broadcast_in_dim3A_577, %div3A_579 : vector<2048x1xf32>
    %jit3A_581 = arith.constant 0 : i32
    %reduce_sum3A_582 = arith.constant dense<0.000000e+00> : vector<2048xf32>
    %reduce_sum3A_583 = vector.multi_reduction <add>, %add3A_574, %reduce_sum3A_582 [1] : vector<2048x512xf32> to vector<2048xf32>
    %broadcast_in_dim3A_584 = vector.shape_cast %reduce_sum3A_583 : vector<2048xf32> to vector<2048x1xf32>
    %div3A_585 = arith.constant 5.120000e+02 : f32
    %div3A_586 = vector.broadcast %div3A_585 : f32 to vector<2048x1xf32>
    %div3A_587 = arith.divf %broadcast_in_dim3A_584, %div3A_586 : vector<2048x1xf32>
    %sub3A_588 = vector.broadcast %div3A_587 : vector<2048x1xf32> to vector<2048x512xf32>
    %sub3A_589 = arith.subf %add3A_574, %sub3A_588 : vector<2048x512xf32>
    %square3A_590 = arith.mulf %sub3A_589, %sub3A_589 : vector<2048x512xf32>
    %convert_element_type3A_591 = arith.sitofp %jit3A_581 : i32 to f32
    %sub3A_592 = arith.constant 5.120000e+02 : f32
    %sub3A_593 = arith.subf %sub3A_592, %convert_element_type3A_591 : f32
    %reduce_sum3A_594 = arith.constant dense<0.000000e+00> : vector<2048xf32>
    %reduce_sum3A_595 = vector.multi_reduction <add>, %square3A_590, %reduce_sum3A_594 [1] : vector<2048x512xf32> to vector<2048xf32>
    %broadcast_in_dim3A_596 = vector.shape_cast %reduce_sum3A_595 : vector<2048xf32> to vector<2048x1xf32>
    %div3A_597 = vector.broadcast %sub3A_593 : f32 to vector<2048x1xf32>
    %div3A_598 = arith.divf %broadcast_in_dim3A_596, %div3A_597 : vector<2048x1xf32>
    %gt3A_599 = arith.constant 0.000000e+00 : f32
    %gt3A_600 = arith.cmpf ogt, %sub3A_593, %gt3A_599 : f32
    %jit3A_601 = arith.constant 0x7FC00000 : f32
    %broadcast_in_dim3A_602 = vector.broadcast %jit3A_601 : f32 to vector<2048x1xf32>
    %select_n3A_603 = arith.select %gt3A_600, %div3A_598, %broadcast_in_dim3A_602 : vector<2048x1xf32>
    %sub3A_604 = vector.broadcast %div3A_580 : vector<2048x1xf32> to vector<2048x512xf32>
    %sub3A_605 = arith.subf %add3A_574, %sub3A_604 : vector<2048x512xf32>
    %add3A_606 = arith.constant 9.99999974E-6 : f32
    %add3A_607 = vector.broadcast %add3A_606 : f32 to vector<2048x1xf32>
    %add3A_608 = arith.addf %select_n3A_603, %add3A_607 : vector<2048x1xf32>
    %sqrt3A_609 = math.sqrt %add3A_608 : vector<2048x1xf32>
    %div3A_610 = vector.broadcast %sqrt3A_609 : vector<2048x1xf32> to vector<2048x512xf32>
    %div3A_611 = arith.divf %sub3A_605, %div3A_610 : vector<2048x512xf32>
    %mul3A_612 = vector.broadcast %get3A_519 : vector<1x512xf32> to vector<2048x512xf32>
    %mul3A_613 = arith.mulf %div3A_611, %mul3A_612 : vector<2048x512xf32>
    %add3A_614 = vector.broadcast %get3A_524 : vector<1x512xf32> to vector<2048x512xf32>
    %add3A_615 = arith.addf %mul3A_613, %add3A_614 : vector<2048x512xf32>
    %add3A_616 = arith.addf %add3A_615, %tanh3A_504 : vector<2048x512xf32>
    %tanh3A_617 = math.tanh %add3A_616 : vector<2048x512xf32>
    %get3A_618 = arith.constant 5 : index
    %get3A_619 = arith.constant 0 : index
    %get3A_620 = arith.constant 0 : index
    %get3A_621 = vector.load %arg7[%get3A_618, %get3A_619, %get3A_620] : memref<6x512x512xf32, #tpu.memory_space<vmem>>, vector<1x512x512xf32>
    %get3A_622 = vector.shape_cast %get3A_621 : vector<1x512x512xf32> to vector<512x512xf32>
    %get3A_623 = arith.constant 5 : index
    %get3A_624 = arith.constant 0 : index
    %get3A_625 = arith.constant 0 : index
    %get3A_626 = vector.load %arg8[%get3A_623, %get3A_624, %get3A_625] : memref<6x1x512xf32, #tpu.memory_space<vmem>>, vector<1x1x512xf32>
    %get3A_627 = vector.shape_cast %get3A_626 : vector<1x1x512xf32> to vector<1x512xf32>
    %get3A_628 = arith.constant 5 : index
    %get3A_629 = arith.constant 0 : index
    %get3A_630 = arith.constant 0 : index
    %get3A_631 = vector.load %arg9[%get3A_628, %get3A_629, %get3A_630] : memref<6x1x512xf32, #tpu.memory_space<vmem>>, vector<1x1x512xf32>
    %get3A_632 = vector.shape_cast %get3A_631 : vector<1x1x512xf32> to vector<1x512xf32>
    %get3A_633 = arith.constant 5 : index
    %get3A_634 = arith.constant 0 : index
    %get3A_635 = arith.constant 0 : index
    %get3A_636 = vector.load %arg10[%get3A_633, %get3A_634, %get3A_635] : memref<6x1x512xf32, #tpu.memory_space<vmem>>, vector<1x1x512xf32>
    %get3A_637 = vector.shape_cast %get3A_636 : vector<1x1x512xf32> to vector<1x512xf32>
    %dot_general3A_638 = arith.constant dense<0.000000e+00> : vector<2048x512xf32>
    %dot_general3A_639 = tpu.matmul %tanh3A_617, %get3A_622, %dot_general3A_638 {dimension_numbers = #tpu.dot_dimension_numbers<[1], [0], [0], [1], [0, 0, 1, 1], [], []>, transpose_lhs_hint = false} : vector<2048x512xf32>, vector<512x512xf32>, vector<2048x512xf32> -> vector<2048x512xf32>
    %add3A_640 = vector.broadcast %get3A_627 : vector<1x512xf32> to vector<2048x512xf32>
    %add3A_641 = arith.addf %dot_general3A_639, %add3A_640 : vector<2048x512xf32>
    %reduce_sum3A_642 = arith.constant dense<0.000000e+00> : vector<2048xf32>
    %reduce_sum3A_643 = vector.multi_reduction <add>, %add3A_641, %reduce_sum3A_642 [1] : vector<2048x512xf32> to vector<2048xf32>
    %broadcast_in_dim3A_644 = vector.shape_cast %reduce_sum3A_643 : vector<2048xf32> to vector<2048x1xf32>
    %div3A_645 = arith.constant 5.120000e+02 : f32
    %div3A_646 = vector.broadcast %div3A_645 : f32 to vector<2048x1xf32>
    %div3A_647 = arith.divf %broadcast_in_dim3A_644, %div3A_646 : vector<2048x1xf32>
    %jit3A_648 = arith.constant 0 : i32
    %reduce_sum3A_649 = arith.constant dense<0.000000e+00> : vector<2048xf32>
    %reduce_sum3A_650 = vector.multi_reduction <add>, %add3A_641, %reduce_sum3A_649 [1] : vector<2048x512xf32> to vector<2048xf32>
    %broadcast_in_dim3A_651 = vector.shape_cast %reduce_sum3A_650 : vector<2048xf32> to vector<2048x1xf32>
    %div3A_652 = arith.constant 5.120000e+02 : f32
    %div3A_653 = vector.broadcast %div3A_652 : f32 to vector<2048x1xf32>
    %div3A_654 = arith.divf %broadcast_in_dim3A_651, %div3A_653 : vector<2048x1xf32>
    %sub3A_655 = vector.broadcast %div3A_654 : vector<2048x1xf32> to vector<2048x512xf32>
    %sub3A_656 = arith.subf %add3A_641, %sub3A_655 : vector<2048x512xf32>
    %square3A_657 = arith.mulf %sub3A_656, %sub3A_656 : vector<2048x512xf32>
    %convert_element_type3A_658 = arith.sitofp %jit3A_648 : i32 to f32
    %sub3A_659 = arith.constant 5.120000e+02 : f32
    %sub3A_660 = arith.subf %sub3A_659, %convert_element_type3A_658 : f32
    %reduce_sum3A_661 = arith.constant dense<0.000000e+00> : vector<2048xf32>
    %reduce_sum3A_662 = vector.multi_reduction <add>, %square3A_657, %reduce_sum3A_661 [1] : vector<2048x512xf32> to vector<2048xf32>
    %broadcast_in_dim3A_663 = vector.shape_cast %reduce_sum3A_662 : vector<2048xf32> to vector<2048x1xf32>
    %div3A_664 = vector.broadcast %sub3A_660 : f32 to vector<2048x1xf32>
    %div3A_665 = arith.divf %broadcast_in_dim3A_663, %div3A_664 : vector<2048x1xf32>
    %gt3A_666 = arith.constant 0.000000e+00 : f32
    %gt3A_667 = arith.cmpf ogt, %sub3A_660, %gt3A_666 : f32
    %jit3A_668 = arith.constant 0x7FC00000 : f32
    %broadcast_in_dim3A_669 = vector.broadcast %jit3A_668 : f32 to vector<2048x1xf32>
    %select_n3A_670 = arith.select %gt3A_667, %div3A_665, %broadcast_in_dim3A_669 : vector<2048x1xf32>
    %sub3A_671 = vector.broadcast %div3A_647 : vector<2048x1xf32> to vector<2048x512xf32>
    %sub3A_672 = arith.subf %add3A_641, %sub3A_671 : vector<2048x512xf32>
    %add3A_673 = arith.constant 9.99999974E-6 : f32
    %add3A_674 = vector.broadcast %add3A_673 : f32 to vector<2048x1xf32>
    %add3A_675 = arith.addf %select_n3A_670, %add3A_674 : vector<2048x1xf32>
    %sqrt3A_676 = math.sqrt %add3A_675 : vector<2048x1xf32>
    %div3A_677 = vector.broadcast %sqrt3A_676 : vector<2048x1xf32> to vector<2048x512xf32>
    %div3A_678 = arith.divf %sub3A_672, %div3A_677 : vector<2048x512xf32>
    %mul3A_679 = vector.broadcast %get3A_632 : vector<1x512xf32> to vector<2048x512xf32>
    %mul3A_680 = arith.mulf %div3A_678, %mul3A_679 : vector<2048x512xf32>
    %add3A_681 = vector.broadcast %get3A_637 : vector<1x512xf32> to vector<2048x512xf32>
    %add3A_682 = arith.addf %mul3A_680, %add3A_681 : vector<2048x512xf32>
    %tanh3A_683 = math.tanh %add3A_682 : vector<2048x512xf32>
    %dot_general3A_684 = arith.constant dense<0.000000e+00> : vector<2048x512xf32>
    %dot_general3A_685 = tpu.matmul %tanh3A_683, %get3A_622, %dot_general3A_684 {dimension_numbers = #tpu.dot_dimension_numbers<[1], [0], [0], [1], [0, 0, 1, 1], [], []>, transpose_lhs_hint = false} : vector<2048x512xf32>, vector<512x512xf32>, vector<2048x512xf32> -> vector<2048x512xf32>
    %add3A_686 = vector.broadcast %get3A_627 : vector<1x512xf32> to vector<2048x512xf32>
    %add3A_687 = arith.addf %dot_general3A_685, %add3A_686 : vector<2048x512xf32>
    %reduce_sum3A_688 = arith.constant dense<0.000000e+00> : vector<2048xf32>
    %reduce_sum3A_689 = vector.multi_reduction <add>, %add3A_687, %reduce_sum3A_688 [1] : vector<2048x512xf32> to vector<2048xf32>
    %broadcast_in_dim3A_690 = vector.shape_cast %reduce_sum3A_689 : vector<2048xf32> to vector<2048x1xf32>
    %div3A_691 = arith.constant 5.120000e+02 : f32
    %div3A_692 = vector.broadcast %div3A_691 : f32 to vector<2048x1xf32>
    %div3A_693 = arith.divf %broadcast_in_dim3A_690, %div3A_692 : vector<2048x1xf32>
    %jit3A_694 = arith.constant 0 : i32
    %reduce_sum3A_695 = arith.constant dense<0.000000e+00> : vector<2048xf32>
    %reduce_sum3A_696 = vector.multi_reduction <add>, %add3A_687, %reduce_sum3A_695 [1] : vector<2048x512xf32> to vector<2048xf32>
    %broadcast_in_dim3A_697 = vector.shape_cast %reduce_sum3A_696 : vector<2048xf32> to vector<2048x1xf32>
    %div3A_698 = arith.constant 5.120000e+02 : f32
    %div3A_699 = vector.broadcast %div3A_698 : f32 to vector<2048x1xf32>
    %div3A_700 = arith.divf %broadcast_in_dim3A_697, %div3A_699 : vector<2048x1xf32>
    %sub3A_701 = vector.broadcast %div3A_700 : vector<2048x1xf32> to vector<2048x512xf32>
    %sub3A_702 = arith.subf %add3A_687, %sub3A_701 : vector<2048x512xf32>
    %square3A_703 = arith.mulf %sub3A_702, %sub3A_702 : vector<2048x512xf32>
    %convert_element_type3A_704 = arith.sitofp %jit3A_694 : i32 to f32
    %sub3A_705 = arith.constant 5.120000e+02 : f32
    %sub3A_706 = arith.subf %sub3A_705, %convert_element_type3A_704 : f32
    %reduce_sum3A_707 = arith.constant dense<0.000000e+00> : vector<2048xf32>
    %reduce_sum3A_708 = vector.multi_reduction <add>, %square3A_703, %reduce_sum3A_707 [1] : vector<2048x512xf32> to vector<2048xf32>
    %broadcast_in_dim3A_709 = vector.shape_cast %reduce_sum3A_708 : vector<2048xf32> to vector<2048x1xf32>
    %div3A_710 = vector.broadcast %sub3A_706 : f32 to vector<2048x1xf32>
    %div3A_711 = arith.divf %broadcast_in_dim3A_709, %div3A_710 : vector<2048x1xf32>
    %gt3A_712 = arith.constant 0.000000e+00 : f32
    %gt3A_713 = arith.cmpf ogt, %sub3A_706, %gt3A_712 : f32
    %jit3A_714 = arith.constant 0x7FC00000 : f32
    %broadcast_in_dim3A_715 = vector.broadcast %jit3A_714 : f32 to vector<2048x1xf32>
    %select_n3A_716 = arith.select %gt3A_713, %div3A_711, %broadcast_in_dim3A_715 : vector<2048x1xf32>
    %sub3A_717 = vector.broadcast %div3A_693 : vector<2048x1xf32> to vector<2048x512xf32>
    %sub3A_718 = arith.subf %add3A_687, %sub3A_717 : vector<2048x512xf32>
    %add3A_719 = arith.constant 9.99999974E-6 : f32
    %add3A_720 = vector.broadcast %add3A_719 : f32 to vector<2048x1xf32>
    %add3A_721 = arith.addf %select_n3A_716, %add3A_720 : vector<2048x1xf32>
    %sqrt3A_722 = math.sqrt %add3A_721 : vector<2048x1xf32>
    %div3A_723 = vector.broadcast %sqrt3A_722 : vector<2048x1xf32> to vector<2048x512xf32>
    %div3A_724 = arith.divf %sub3A_718, %div3A_723 : vector<2048x512xf32>
    %mul3A_725 = vector.broadcast %get3A_632 : vector<1x512xf32> to vector<2048x512xf32>
    %mul3A_726 = arith.mulf %div3A_724, %mul3A_725 : vector<2048x512xf32>
    %add3A_727 = vector.broadcast %get3A_637 : vector<1x512xf32> to vector<2048x512xf32>
    %add3A_728 = arith.addf %mul3A_726, %add3A_727 : vector<2048x512xf32>
    %add3A_729 = arith.addf %add3A_728, %tanh3A_617 : vector<2048x512xf32>
    %tanh3A_730 = math.tanh %add3A_729 : vector<2048x512xf32>
    %get3A_731 = arith.constant 0 : index
    %get3A_732 = arith.constant 0 : index
    %get3A_733 = vector.load %arg11[%get3A_731, %get3A_732] : memref<512x1024xf32, #tpu.memory_space<vmem>>, vector<512x1024xf32>
    %dot_general3A_734 = arith.constant dense<0.000000e+00> : vector<2048x1024xf32>
    %dot_general3A_735 = tpu.matmul %tanh3A_730, %get3A_733, %dot_general3A_734 {dimension_numbers = #tpu.dot_dimension_numbers<[1], [0], [0], [1], [0, 0, 1, 1], [], []>, transpose_lhs_hint = false} : vector<2048x512xf32>, vector<512x1024xf32>, vector<2048x1024xf32> -> vector<2048x1024xf32>
    %get3A_736 = arith.constant 0 : index
    %get3A_737 = arith.constant 0 : index
    %get3A_738 = vector.load %arg12[%get3A_736, %get3A_737] : memref<1x1024xf32, #tpu.memory_space<vmem>>, vector<1x1024xf32>
    %add3A_739 = vector.broadcast %get3A_738 : vector<1x1024xf32> to vector<2048x1024xf32>
    %add3A_740 = arith.addf %dot_general3A_735, %add3A_739 : vector<2048x1024xf32>
    %swap3A = arith.constant 0 : index
    %swap3A_741 = arith.constant 0 : index
    %swap3A_742 = vector.load %arg13[%swap3A, %swap3A_741] : memref<2048x1024xf32, #tpu.memory_space<vmem>>, vector<2048x1024xf32>
    tpu.vector_store %arg13[%swap3A, %swap3A_741], %add3A_740 {strides = array<i32>} : memref<2048x1024xf32, #tpu.memory_space<vmem>>, vector<2048x1024xf32>,
    return
  }
  func.func @transform_0(%arg0: i32) -> (i32, i32) {
    %c0_i32 = arith.constant 0 : i32
    %c0_i32_0 = arith.constant 0 : i32
    return %arg0, %c0_i32 : i32, i32
  }
  func.func @transform_1(%arg0: i32) -> (i32, i32) {
    %c0_i32 = arith.constant 0 : i32
    %c0_i32_0 = arith.constant 0 : i32
    return %arg0, %c0_i32 : i32, i32
  }
  func.func @transform_2(%arg0: i32) -> (i32, i32) {
    %c0_i32 = arith.constant 0 : i32
    %c0_i32_0 = arith.constant 0 : i32
    %c0_i32_1 = arith.constant 0 : i32
    return %c0_i32, %c0_i32_0 : i32, i32
  }
  func.func @transform_3(%arg0: i32) -> (i32, i32) {
    %c0_i32 = arith.constant 0 : i32
    %c0_i32_0 = arith.constant 0 : i32
    %c0_i32_1 = arith.constant 0 : i32
    return %c0_i32, %c0_i32_0 : i32, i32
  }
  func.func @transform_4(%arg0: i32) -> (i32, i32) {
    %c0_i32 = arith.constant 0 : i32
    %c0_i32_0 = arith.constant 0 : i32
    %c0_i32_1 = arith.constant 0 : i32
    return %c0_i32, %c0_i32_0 : i32, i32
  }
  func.func @transform_5(%arg0: i32) -> (i32, i32) {
    %c0_i32 = arith.constant 0 : i32
    %c0_i32_0 = arith.constant 0 : i32
    %c0_i32_1 = arith.constant 0 : i32
    return %c0_i32, %c0_i32_0 : i32, i32
  }
  func.func @transform_6(%arg0: i32) -> (i32, i32, i32) {
    %c0_i32 = arith.constant 0 : i32
    %c0_i32_0 = arith.constant 0 : i32
    %c0_i32_1 = arith.constant 0 : i32
    %c0_i32_2 = arith.constant 0 : i32
    return %c0_i32, %c0_i32_0, %c0_i32_1 : i32, i32, i32
  }
  func.func @transform_7(%arg0: i32) -> (i32, i32, i32) {
    %c0_i32 = arith.constant 0 : i32
    %c0_i32_0 = arith.constant 0 : i32
    %c0_i32_1 = arith.constant 0 : i32
    %c0_i32_2 = arith.constant 0 : i32
    return %c0_i32, %c0_i32_0, %c0_i32_1 : i32, i32, i32
  }
  func.func @transform_8(%arg0: i32) -> (i32, i32, i32) {
    %c0_i32 = arith.constant 0 : i32
    %c0_i32_0 = arith.constant 0 : i32
    %c0_i32_1 = arith.constant 0 : i32
    %c0_i32_2 = arith.constant 0 : i32
    return %c0_i32, %c0_i32_0, %c0_i32_1 : i32, i32, i32
  }
  func.func @transform_9(%arg0: i32) -> (i32, i32, i32) {
    %c0_i32 = arith.constant 0 : i32
    %c0_i32_0 = arith.constant 0 : i32
    %c0_i32_1 = arith.constant 0 : i32
    %c0_i32_2 = arith.constant 0 : i32
    return %c0_i32, %c0_i32_0, %c0_i32_1 : i32, i32, i32
  }
  func.func @transform_10(%arg0: i32) -> (i32, i32) {
    %c0_i32 = arith.constant 0 : i32
    %c0_i32_0 = arith.constant 0 : i32
    %c0_i32_1 = arith.constant 0 : i32
    return %c0_i32, %c0_i32_0 : i32, i32
  }
  func.func @transform_11(%arg0: i32) -> (i32, i32) {
    %c0_i32 = arith.constant 0 : i32
    %c0_i32_0 = arith.constant 0 : i32
    %c0_i32_1 = arith.constant 0 : i32
    return %c0_i32, %c0_i32_0 : i32, i32
  }
  func.func @transform_12(%arg0: i32) -> (i32, i32) {
    %c0_i32 = arith.constant 0 : i32
    %c0_i32_0 = arith.constant 0 : i32
    return %arg0, %c0_i32 : i32, i32
  }
}

</mosaic_0001>

<sc_bundles>
// kernel: kernel.5.cloned.1.call-start
scs
__scs_entry_jumppad:
0x0: {  	(pc) =	sbr.rel $0x88, $3  }
0x1: {  	(tag) =	ssettag $0x0;
	lr =	simm.s32 $0x1  }
0x2: {  	[smem:$0x3F63] =	sst lr;
	_ =	strace $0xD0000000  }
0x3: {  	_ = 	snop  }
0x4: {  	_ = 	snop  }
0x5: {  	_ = 	snop  }
0x6: {  	_ = 	snop  }
0x7: {  	_ = 	snop  }
__scs_overlays_trampoline_lowered:
0x8: {  	[smem:$0x3F72] =	sst s0  }
0x9: {  	[smem:$0x3F73] =	sst s1  }
0xa: {  	[smem:$0x3F74] =	sst s2  }
0xb: {  	[smem:$0x3F75] =	sst s3  }
0xc: {  	[smem:$0x3F76] =	sst s4  }
0xd: {  	[smem:$0x3F77] =	sst s5  }
0xe: {  	[smem:$0x3F78] =	sst s6  }
0xf: {  	[smem:$0x3F79] =	sst s7  }
0x10: {  	[smem:$0x3F7A] =	sst s8  }
0x11: {  	[smem:$0x3F7B] =	sst s9;
	s0 =	simm.s32 @!p0 $0x0  }
0x12: {  	s1 =	sld [smem:$0x3F61];
	s0 =	simm.s32 @p0 $0x1  }
0x13: {  	[smem:$0x3F7C] =	sst s0;
	s0 =	simm.s32 @!p1 $0x0  }
0x14: {  	s2 =	sld [smem:$0x3F60];
	s0 =	simm.s32 @p1 $0x1  }
0x15: {  	[smem:$0x3F7D] =	sst s0;
	s0 =	simm.s32 @!p2 $0x0  }
0x16: {  	s3 =	sld [smem:$0x3FDB];
	s0 =	simm.s32 @p2 $0x1  }
0x17: {  	s4 =	simm.s32 $0x1BF5;
	[smem:$0x3F7F] =	sst s0  }
0x18: {  	s0 =	sld [smem:$0x3F62];
	_ =	swait.ge [sflag:s4], $0x0  }
0x19: {  	s7 =	sld [smem:$0x3F63]  }
0x1a: {  	s8 =	sadd.s32 $0xFFFFE003, lr  }
0x1b: {  	s9 =	sadd.s32 $0xFFFFFEF7, lr;
	s5 =	simm.s32 $0xFFFFFFFF;
	p2 =	slt.u32 s8, $0xFFFFF086  }
0x1c: {  	p1 =	slt.u32 s9, $0xF7A;
	s5 =	simm.s32 @!p2 $0x0  }
0x1d: {  	s5 =	simm.s32 @p1 $0x1;
	p0 =	seq.s32 s7, s2  }
0x1e: {  	s7 =	smul.u32 @!p0 $0xF7A, s2;
	p2 =	seq.s32 @!p0 s5, $0x0  }
0x1f: {  	s9 =	smul.u32 $0xF7A, s1;
	s8 =	simm.s32 @!p0 $0x1BF5;
	p2 =	por !p2, p0  }
0x20: {  	[sflag:s8] =	ssyncset.s32 @!p0 $0xFFFFF086;
	s6 =	sadd.s32 @!p0 s3, s7;
	s7 =	simm.s32 @!p0 $0x108  }
0x21: {  	s3 =	sadd.s32 s3, s9;
	s6 =	sadd.s32 @!p0 $0x88, s6;
	s7 =	simm.s32 @p2 $0x1082  }
0x22: {  	[simem:s7], [sflag:s8] =	dma.local @!p0 [hbm:s6], $0xF7A  }
0x23: {  	s9 =	sor.u32 $0xD0000000, s2;
	s6 =	simm.s32 $0x108;
	_ =	swait.ge @!p0 [sflag:s8], $0x0  }
0x24: {  	s3 =	sadd.s32 $0x88, s3;
	s6 =	simm.s32 @!p1 $0x1082;
	[sflag:s4] =	ssyncset.s32 $0xFFFFF086  }
0x25: {  	[simem:s6], [sflag:s4] =	dma.local [hbm:s3], $0xF7A  }
0x26: {  	[smem:$0x3F63] =	sst s1;
	(tag) =	ssettag s2;
	_ =	strace s9  }
0x27: {  	s1 =	sld [smem:$0x3F73]  }
0x28: {  	s2 =	sld [smem:$0x3F74]  }
0x29: {  	s4 =	sld [smem:$0x3F76]  }
0x2a: {  	p0 =	seq.s32 s5, $0x0;
	s5 =	sld [smem:$0x3F77]  }
0x2b: {  	s6 =	sld [smem:$0x3F78]  }
0x2c: {  	s7 =	sld [smem:$0x3F79]  }
0x2d: {  	s3 =	simm.s32 $0x108;
	s8 =	sld [smem:$0x3F7A]  }
0x2e: {  	s3 =	simm.s32 @!p0 $0x1082;
	s9 =	sld [smem:$0x3F7B]  }
0x2f: {  	lr =	sadd.s32 s0, s3;
	s0 =	sld [smem:$0x3F72]  }
0x30: {  	s3 =	sld [smem:$0x3F75]  }
0x31: {  	[smem:$0x3F7E] =	sst s10  }
0x32: {  	s10 =	sld [smem:$0x3F7C];
	_ =	sdelay $0x3  }
0x33: {  	p0 =	seq.s32 s10, $0x1;
	s10 =	sld [smem:$0x3F7E];
	_ =	sdelay $0x3  }
0x34: {  	[smem:$0x3F7E] =	sst s10  }
0x35: {  	s10 =	sld [smem:$0x3F7D];
	_ =	sdelay $0x3  }
0x36: {  	p1 =	seq.s32 s10, $0x1;
	s10 =	sld [smem:$0x3F7E];
	_ =	sdelay $0x3  }
0x37: {  	[smem:$0x3F7E] =	sst s10  }
0x38: {  	s10 =	sld [smem:$0x3F7F]  }
0x39: {  	_ = 	snop;
	(pc) =	sbr.ind lr, $3  }
0x3a: {  	_ = 	snop  }
0x3b: {  	_ = 	snop  }
0x3c: {  	p2 =	seq.s32 s10, $0x1;
	s10 =	sld [smem:$0x3F7E]  }
0x3d: {  	_ =	shalt  }
0x3e: {  	_ =	shalt  }
0x3f: {  	_ =	shalt  }
0x40: {  	_ =	shalt  }
0x41: {  	_ =	shalt  }
0x42: {  	_ =	shalt  }
0x43: {  	_ =	shalt  }
0x44: {  	_ =	shalt  }
0x45: {  	_ =	shalt  }
0x46: {  	_ =	shalt  }
0x47: {  	_ =	shalt  }
0x48: {  	_ =	shalt  }
0x49: {  	_ =	shalt  }
0x4a: {  	_ =	shalt  }
0x4b: {  	_ =	shalt  }
0x4c: {  	_ =	shalt  }
0x4d: {  	_ =	shalt  }
0x4e: {  	_ =	shalt  }
0x4f: {  	_ =	shalt  }
0x50: {  	_ =	shalt  }
0x51: {  	_ =	shalt  }
0x52: {  	_ =	shalt  }
0x53: {  	_ =	shalt  }
0x54: {  	_ =	shalt  }
0x55: {  	_ =	shalt  }
0x56: {  	_ =	shalt  }
0x57: {  	_ =	shalt  }
0x58: {  	_ =	shalt  }
0x59: {  	_ =	shalt  }
0x5a: {  	_ =	shalt  }
0x5b: {  	_ =	shalt  }
0x5c: {  	_ =	shalt  }
0x5d: {  	_ =	shalt  }
0x5e: {  	_ =	shalt  }
0x5f: {  	_ =	shalt  }
0x60: {  	_ =	shalt  }
0x61: {  	_ =	shalt  }
0x62: {  	_ =	shalt  }
0x63: {  	_ =	shalt  }
0x64: {  	_ =	shalt  }
0x65: {  	_ =	shalt  }
0x66: {  	_ =	shalt  }
0x67: {  	_ =	shalt  }
0x68: {  	_ =	shalt  }
0x69: {  	_ =	shalt  }
0x6a: {  	_ =	shalt  }
0x6b: {  	_ =	shalt  }
0x6c: {  	_ =	shalt  }
0x6d: {  	_ =	shalt  }
0x6e: {  	_ =	shalt  }
0x6f: {  	_ =	shalt  }
0x70: {  	_ =	shalt  }
0x71: {  	_ =	shalt  }
0x72: {  	_ =	shalt  }
0x73: {  	_ =	shalt  }
0x74: {  	_ =	shalt  }
0x75: {  	_ =	shalt  }
0x76: {  	_ =	shalt  }
0x77: {  	_ =	shalt  }
0x78: {  	_ =	shalt  }
0x79: {  	_ =	shalt  }
0x7a: {  	_ =	shalt  }
0x7b: {  	_ =	shalt  }
0x7c: {  	_ =	shalt  }
0x7d: {  	_ =	shalt  }
0x7e: {  	_ =	shalt  }
0x7f: {  	_ =	shalt  }
0x80: {  	_ =	shalt  }
0x81: {  	_ =	shalt  }
0x82: {  	_ =	shalt  }
0x83: {  	_ =	shalt  }
0x84: {  	_ =	shalt  }
0x85: {  	_ =	shalt  }
0x86: {  	_ =	shalt  }
0x87: {  	_ =	shalt  }
.Lfunc_end0:
.L_simem_size_0:
called_computation_lowered:
.L_overlay_start_0:
0x88: {  	s2 =	sld [smem:$0x3FD9]  }
0x89: {  	s3 =	sld [smem:$0x3FFE];
	_ =	sdelay $0x1  }
0x8a: {  	s1 =	srdreg.scid  }
0x8b: {  	s0 =	sand.u32 $0x1, s1  }
0x8c: {  	s15 =	sshll.u32 s0, $0xA;
	s2 =	sadd.s32 s3, s2  }
0x8d: {  	s2 =	sadd.s32 s2, s15  }
0x8e: {  	[smem:$0x3F8A] =	sst s2  }
0x8f: {  	_ = 	snop  }
0x90: {  	s2 =	sld [smem:$0x3FD0];
	_ =	sdelay $0x2  }
0x91: {  	s4 =	simm.s32 $0xA;
	s5 =	simm.s32 $0x10;
	s16 =	sld [smem:$0x3FAA]  }
0x92: {  	[smem:s5], [sflag:s4] =	dma.local [hbm:s2], $0x1  }
0x93: {  	_ =	swait.eq [sflag:s4], $0x1  }
0x94: {  	[sflag:s4] =	ssyncset.done $0x0  }
0x95: {  	s17 =	sld [smem:$0x12];
	[sflag:s4] =	ssyncadd.s32 $0xFFFFFFFF  }
0x96: {  	s18 =	sld [smem:$0x13];
	(tm) =	ssettm $0x1  }
0x97: {  	s19 =	sld [smem:$0x3FFB];
	_ =	sdelay $0x3  }
0x98: {  	_ =	strace s19  }
0x99: {  	s5 =	sld [smem:$0x3FFC];
	_ =	sdelay $0x3  }
0x9a: {  	_ =	strace s5  }
0x9b: {  	s5 =	sld [smem:$0x3FFD];
	_ =	sdelay $0x3  }
0x9c: {  	_ =	strace s5  }
0x9d: {  	_ =	strace $0x8FFFFFFF  }
0x9e: {  	s20 =	sld [smem:$0x3FDB];
	_ =	sdelay $0x1  }
0x9f: {  	s6 =	simm.s32 $_scs_section_size  }
0xa0: {  	s7 =	simm.s32 $_size__tile_overlayer_lowered;
	s8 =	simm.s32 $_tile_overlayer_lowered  }
0xa1: {  	s23 =	simm.s32 $0x1BFF;
	s22 =	sshll.u32 s8, $0x1;
	s5 =	sadd.s32 s6, s20  }
0xa2: {  	s9 =	simm.s32 $0x0;
	s21 =	sshll.u32 s7, $0x1;
	s7 =	sadd.s32 s22, s5  }
0xa3: {  	[timem:s9], [sflag:s23] =	dma.local [hbm:s7], s21  }
0xa4: {  	_ =	swait.ge [sflag:s23], s21  }
0xa5: {  	s6 =	ssub.s32 $0x0, s21;
	[sflag:s23] =	ssyncset.done $0x0  }
0xa6: {  	[sflag:s23] =	ssyncadd.s32 s6;
	_ =	sdelay $0x1  }
0xa7: {  	s24 =	simm.s32 $0x1B8B  }
0xa8: {  	_ =	swait.ge [sflag:s24], $0x1  }
0xa9: {  	[sflag:s24] =	ssyncset.done $0x0  }
0xaa: {  	s25 =	simm.s32 $0x1B8E;
	[sflag:s24] =	ssyncadd.s32 $0xFFFFFFFF  }
0xab: {  	s26 =	simm.s32 $execute0_lowered;
	[smem:$0x3FD2] =	sst s25  }
0xac: {  	s6 =	sshll.u32 s26, $0x1;
	_ =	strace $0x80000046;
	[dreg:$0x1] =	wrdreg $0xFFFFFFFF  }
0xad: {  	s28 =	simm.s32 $_size_execute0_lowered;
	s5 =	sadd.s32 s5, s6;
	[dreg:$0x0] =	wrdreg $0x0  }
0xae: {  	s6 =	sshll.u32 s28, $0x1;
	[dreg:$0x2] =	wrdreg s5  }
0xaf: {  	[dreg:$0x3] =	wrdreg s6  }
0xb0: {  	[dreg:$0x4] =	wrdreg $0xC0  }
0xb1: {  	_ =	task [dreg:s9], $0x5FFFF  }
0xb2: {  	[dreg:$0x1] =	wrdreg $0xFFFFFFFF  }
0xb3: {  	[dreg:$0x0] =	wrdreg $0x60  }
0xb4: {  	[dreg:$0x2] =	wrdreg s16  }
0xb5: {  	[dreg:$0x3] =	wrdreg s18  }
0xb6: {  	[dreg:$0x4] =	wrdreg s17  }
0xb7: {  	[dreg:$0x5] =	wrdreg $0x9  }
0xb8: {  	_ =	task.clear_ibuf [dreg:s9], $0x6FFFF;
	_ =	strace $0x90000046  }
0xb9: {  	s29 =	simm.s32 $0x9;
	_ =	strace $0x80000048  }
0xba: {  	_ =	swait.ge [sflag:s29], $0x1  }
0xbb: {  	[sflag:s29] =	ssyncadd.s32 $0xFFFFFFFF  }
0xbc: {  	_ =	strace $0x90000048  }
0xbd: {  	_ =	sfence  }
0xbe: {  	s30 =	sld [smem:$0x0];
	_ =	sdelay $0x2  }
0xbf: {  	s31 =	sshll.u32 s1, $0xD;
	s1 =	sshrl.u32 s1, $0x2  }
0xc0: {  	s3 =	sand.u32 $0x4000, s31;
	s1 =	sadd.s32 s1, s30  }
0xc1: {  	s0 =	sor.u32 s3, s0;
	s1 =	sshll.u32 s1, $0x11  }
0xc2: {  	s0 =	sor.u32 s1, s0  }
0xc3: {  	s0 =	sadd.s32 $0x8F2B, s0  }
0xc4: {  	[sflag:s0] =	ssyncadd.remote.s32 $0x1  }
0xc5: {  	_ =	sfence.sel $0xFFFF  }
0xc6: {  	[dreg:$0x0] =	wrdreg $0xFFFFFFFF;
	(pc) =	sbr.abs _section_cstart, $3  }
0xc7: {  	[dreg:$0x1] =	wrdreg $0xFFFFFFFF  }
0xc8: {  	_ =	task.clear_ibuf [dreg:s9], $0x2FFFF;
	_ =	strace $0x9FFFFFFF  }
0xc9: {  	(tm) =	ssettm $0x7FFFFFFF  }
tec
execute0_lowered:
.L_overlay_start_1:
0x0: {  	(tag) =	ssettag $0x1  }
0x1: {  	s1 =	rddreg [dreg:$0x0]  }
0x2: {  	s4 =	rddreg [dreg:$0x1]  }
0x3: {  	s5 =	rddreg [dreg:$0x2]  }
0x4: {  	s0 =	rddreg [dreg:$0x3];
	s3 =	simm.s32 $0x0;
	s6 =	srdreg.scid  }
0x5: {  	s2 =	stileid.u32;
	s10 =	simm.s32 $0x1080;
	s11 =	simm.s32 $0x1880  }
0x6: {  	s12 =	simm.s32 $0x2080;
	s13 =	simm.s32 $0x2880;
	s14 =	simm.s32 $0x3080  }
0x7: {  	s15 =	simm.s32 $0x3880;
	s16 =	simm.s32 $0x4080;
	s17 =	simm.s32 $0x4880  }
0x8: {  	s18 =	simm.s32 $0x5080;
	s19 =	simm.s32 $0x5880;
	s20 =	simm.s32 $0x6080  }
0x9: {  	s21 =	simm.s32 $0x6880;
	s22 =	simm.s32 $0x7080;
	s23 =	simm.s32 $0x7880  }
0xa: {  	s24 =	simm.s32 $0x1;
	[smem:$0x7FF] =	sst s3;
	s6 =	sand.u32 $0x1, s6  }
0xb: {  	s8 =	sshll.u32 s2, $0x8;
	s7 =	ssub.s32 $0x2, s6;
	s6 =	sshll.u32 s6, $0x7  }
0xc: {  	_ =	strace $0x80000047;
	s9 =	sshrl.u32 s7, $0x1;
	s6 =	sor.u32 s6, s8  }
0xd: {  	v2 =	vlaneseq.u32;
	s7 =	ssub.s32 s7, s9;
	s8 =	sshrl.u32 s6, $0x3;
	s6 =	sshll.u32 s6, $0x5  }
0xe: {  	vm0 =	vmmov $0xffff;
	v1 =	vshrl.u32 v2, $0x3;
	s9 =	simm.s32 $0x880;
	s4 =	sadd.s32 s4, s8;
	s5 =	sadd.s32 s5, s6  }
0xf: {  	v0 =	vand.u32 $0x7, v2;
	v2 =	vor.u32 $0x8, v2;
	v1 =	vmul.u32 $0x8, v1;
	s6 =	smax.u32 s7, $0x1;
	s7 =	simm.s32 $0x2;
	s8 =	simm.s32 $0x80  }
.LBB2_1:
0x10: {  	[tilespmem:s3], [sflag:$0x2] =	stream.linear.gather [hbm4b:s4+s3], $0x80, $0x38;
	[tilespmem:$0x8080] =	vst v63  }
0x11: {  	_ =	swait.ge [sflag:s7], $0x80  }
0x12: {  	[sflag:s7] =	ssyncset.done $0x0  }
0x13: {  	[sflag:s7] =	ssyncadd.s32 $0xFFFFFF80  }
0x14: {  	v3 =	vld [tilespmem:$0x0];
	_ =	sdelay $0x4  }
0x15: {  	v4 =	vshll.u32 v3, $0x1  }
0x16: {  	v3 =	vand.u32 $0x7, v3;
	v4 =	vand.u32 $0xFFFFFFF0, v4  }
0x17: {  	v3 =	vor.u32 v3, v4  }
0x18: {  	v4 =	vperm.xlane v3, v0;
	_ =	sdelay $0x1  }
0x19: {  	v3 =	vperm.xlane v3, v2;
	v4 =	vadd.s32 v1, v4;
	_ =	sdelay $0x1  }
0x1a: {  	v3 =	vadd.s32 v1, v3;
	_ =	sdelay $0x2  }
0x1b: {  	[tilespmem:s8], [sflag:$0x1] =	stream.indirect_vreg.gather [hbm4b:s1+s3], $0x80, v4, vm0, $0xb8;
	[tilespmem:$0x8080] =	vst v63  }
0x1c: {  	_ = 	snop  }
0x1d: {  	[tilespmem:s9], [sflag:$0x1] =	stream.indirect_vreg.gather [hbm4b:s1+s3], $0x80, v3, vm0, $0xb8;
	[tilespmem:$0x8080] =	vst v63  }
0x1e: {  	v3 =	vld [tilespmem:$0x10];
	_ =	sdelay $0x4  }
0x1f: {  	v57 =	vshll.u32 v3, $0x1  }
0x20: {  	v3 =	vand.u32 $0x7, v3;
	v4 =	vand.u32 $0xFFFFFFF0, v57  }
0x21: {  	v3 =	vor.u32 v3, v4  }
0x22: {  	v4 =	vperm.xlane v3, v0;
	_ =	sdelay $0x1  }
0x23: {  	v3 =	vperm.xlane v3, v2;
	v4 =	vadd.s32 v1, v4;
	_ =	sdelay $0x1  }
0x24: {  	v3 =	vadd.s32 v1, v3;
	_ =	sdelay $0x2  }
0x25: {  	[tilespmem:s10], [sflag:$0x1] =	stream.indirect_vreg.gather [hbm4b:s1+s3], $0x80, v4, vm0, $0xb8;
	[tilespmem:$0x8080] =	vst v63  }
0x26: {  	_ = 	snop  }
0x27: {  	[tilespmem:s11], [sflag:$0x1] =	stream.indirect_vreg.gather [hbm4b:s1+s3], $0x80, v3, vm0, $0xb8;
	[tilespmem:$0x8080] =	vst v63  }
0x28: {  	v3 =	vld [tilespmem:$0x20];
	_ =	sdelay $0x4  }
0x29: {  	v58 =	vshll.u32 v3, $0x1  }
0x2a: {  	v3 =	vand.u32 $0x7, v3;
	v4 =	vand.u32 $0xFFFFFFF0, v58  }
0x2b: {  	v3 =	vor.u32 v3, v4  }
0x2c: {  	v4 =	vperm.xlane v3, v0;
	_ =	sdelay $0x1  }
0x2d: {  	v3 =	vperm.xlane v3, v2;
	v4 =	vadd.s32 v1, v4;
	_ =	sdelay $0x1  }
0x2e: {  	v3 =	vadd.s32 v1, v3;
	_ =	sdelay $0x2  }
0x2f: {  	[tilespmem:s12], [sflag:$0x1] =	stream.indirect_vreg.gather [hbm4b:s1+s3], $0x80, v4, vm0, $0xb8;
	[tilespmem:$0x8080] =	vst v63  }
0x30: {  	_ = 	snop  }
0x31: {  	[tilespmem:s13], [sflag:$0x1] =	stream.indirect_vreg.gather [hbm4b:s1+s3], $0x80, v3, vm0, $0xb8;
	[tilespmem:$0x8080] =	vst v63  }
0x32: {  	v3 =	vld [tilespmem:$0x30];
	_ =	sdelay $0x4  }
0x33: {  	v59 =	vshll.u32 v3, $0x1  }
0x34: {  	v3 =	vand.u32 $0x7, v3;
	v4 =	vand.u32 $0xFFFFFFF0, v59  }
0x35: {  	v3 =	vor.u32 v3, v4  }
0x36: {  	v4 =	vperm.xlane v3, v0;
	_ =	sdelay $0x1  }
0x37: {  	v3 =	vperm.xlane v3, v2;
	v4 =	vadd.s32 v1, v4;
	_ =	sdelay $0x1  }
0x38: {  	v3 =	vadd.s32 v1, v3;
	_ =	sdelay $0x2  }
0x39: {  	[tilespmem:s14], [sflag:$0x1] =	stream.indirect_vreg.gather [hbm4b:s1+s3], $0x80, v4, vm0, $0xb8;
	[tilespmem:$0x8080] =	vst v63  }
0x3a: {  	_ = 	snop  }
0x3b: {  	[tilespmem:s15], [sflag:$0x1] =	stream.indirect_vreg.gather [hbm4b:s1+s3], $0x80, v3, vm0, $0xb8;
	[tilespmem:$0x8080] =	vst v63  }
0x3c: {  	v3 =	vld [tilespmem:$0x40];
	_ =	sdelay $0x4  }
0x3d: {  	v60 =	vshll.u32 v3, $0x1  }
0x3e: {  	v3 =	vand.u32 $0x7, v3;
	v4 =	vand.u32 $0xFFFFFFF0, v60  }
0x3f: {  	v3 =	vor.u32 v3, v4  }
0x40: {  	v4 =	vperm.xlane v3, v0;
	_ =	sdelay $0x1  }
0x41: {  	v3 =	vperm.xlane v3, v2;
	v4 =	vadd.s32 v1, v4;
	_ =	sdelay $0x1  }
0x42: {  	v3 =	vadd.s32 v1, v3;
	_ =	sdelay $0x2  }
0x43: {  	[tilespmem:s16], [sflag:$0x1] =	stream.indirect_vreg.gather [hbm4b:s1+s3], $0x80, v4, vm0, $0xb8;
	[tilespmem:$0x8080] =	vst v63  }
0x44: {  	_ = 	snop  }
0x45: {  	[tilespmem:s17], [sflag:$0x1] =	stream.indirect_vreg.gather [hbm4b:s1+s3], $0x80, v3, vm0, $0xb8;
	[tilespmem:$0x8080] =	vst v63  }
0x46: {  	v3 =	vld [tilespmem:$0x50];
	_ =	sdelay $0x4  }
0x47: {  	v61 =	vshll.u32 v3, $0x1  }
0x48: {  	v3 =	vand.u32 $0x7, v3;
	v4 =	vand.u32 $0xFFFFFFF0, v61  }
0x49: {  	v3 =	vor.u32 v3, v4  }
0x4a: {  	v4 =	vperm.xlane v3, v0;
	_ =	sdelay $0x1  }
0x4b: {  	v3 =	vperm.xlane v3, v2;
	v4 =	vadd.s32 v1, v4;
	_ =	sdelay $0x1  }
0x4c: {  	v3 =	vadd.s32 v1, v3;
	_ =	sdelay $0x2  }
0x4d: {  	[tilespmem:s18], [sflag:$0x1] =	stream.indirect_vreg.gather [hbm4b:s1+s3], $0x80, v4, vm0, $0xb8;
	[tilespmem:$0x8080] =	vst v63  }
0x4e: {  	_ = 	snop  }
0x4f: {  	[tilespmem:s19], [sflag:$0x1] =	stream.indirect_vreg.gather [hbm4b:s1+s3], $0x80, v3, vm0, $0xb8;
	[tilespmem:$0x8080] =	vst v63  }
0x50: {  	v3 =	vld [tilespmem:$0x60];
	_ =	sdelay $0x4  }
0x51: {  	v62 =	vshll.u32 v3, $0x1  }
0x52: {  	v3 =	vand.u32 $0x7, v3;
	v4 =	vand.u32 $0xFFFFFFF0, v62  }
0x53: {  	v3 =	vor.u32 v3, v4  }
0x54: {  	v4 =	vperm.xlane v3, v0;
	_ =	sdelay $0x1  }
0x55: {  	v3 =	vperm.xlane v3, v2;
	v4 =	vadd.s32 v1, v4;
	_ =	sdelay $0x1  }
0x56: {  	v3 =	vadd.s32 v1, v3;
	_ =	sdelay $0x2  }
0x57: {  	[tilespmem:s20], [sflag:$0x1] =	stream.indirect_vreg.gather [hbm4b:s1+s3], $0x80, v4, vm0, $0xb8;
	[tilespmem:$0x8080] =	vst v63  }
0x58: {  	_ = 	snop  }
0x59: {  	[tilespmem:s21], [sflag:$0x1] =	stream.indirect_vreg.gather [hbm4b:s1+s3], $0x80, v3, vm0, $0xb8;
	[tilespmem:$0x8080] =	vst v63  }
0x5a: {  	v3 =	vld [tilespmem:$0x70];
	_ =	sdelay $0x4  }
0x5b: {  	v63 =	vshll.u32 v3, $0x1  }
0x5c: {  	v3 =	vand.u32 $0x7, v3;
	v4 =	vand.u32 $0xFFFFFFF0, v63  }
0x5d: {  	v3 =	vor.u32 v3, v4  }
0x5e: {  	v4 =	vperm.xlane v3, v0;
	_ =	sdelay $0x1  }
0x5f: {  	v3 =	vperm.xlane v3, v2;
	v4 =	vadd.s32 v1, v4;
	_ =	sdelay $0x1  }
0x60: {  	v3 =	vadd.s32 v1, v3;
	_ =	sdelay $0x2  }
0x61: {  	[tilespmem:s22], [sflag:$0x1] =	stream.indirect_vreg.gather [hbm4b:s1+s3], $0x80, v4, vm0, $0xb8;
	[tilespmem:$0x8080] =	vst v63  }
0x62: {  	_ = 	snop  }
0x63: {  	[tilespmem:s23], [sflag:$0x1] =	stream.indirect_vreg.gather [hbm4b:s1+s3], $0x80, v3, vm0, $0xb8;
	[tilespmem:$0x8080] =	vst v63  }
0x64: {  	_ =	swait.ge [sflag:s24], $0x8000  }
0x65: {  	p0 =	sne.s32 s6, $0x1;
	[sflag:s24] =	ssyncset.done $0x0  }
.Ltmp0:
0x66: {  	[sflag:s24] =	ssyncadd.s32 $0xFFFF8000;
	(pc) =	sbr.rel @p0 .LBB2_1-.Ltmp0, $4  }
0x67: {  	[hbm4b:s5+s3] =	stream.linear.scatter [tilespmem:s8], [sflag:$0x2], $0x8000, $0x38;
	[tilespmem:$0x8080] =	vst v63  }
0x68: {  	_ =	swait.ge [sflag:s7], $0x8000  }
0x69: {  	[sflag:s7] =	ssyncset.done $0x0  }
0x6a: {  	s6 =	sadd.s32 $0xFFFFFFFF, s6;
	[sflag:s7] =	ssyncadd.s32 $0xFFFF8000  }
0x6b: {  	_ =	sfence.sel $0x180000  }
0x6c: {  	[bflag:$0x0] =	sbarrier.arrive $0xFFFF  }
0x6d: {  	p0 =	sne.s32 s2, $0x0;
	_ =	strace $0x90000047  }
0x6e: {  	s0 =	sadd.s32 @!p0 $0x100000, s0;
	[bflag:$0x2] =	sbarrier.arrive $0xFFFF  }
0x6f: {  	[sflag:s0] =	ssyncadd.tile.s32 @!p0 $0x1;
	_ =	shalt  }
.Lfunc_end2:
_tile_overlayer_lowered:
.L_overlay_start_2:
0x70: {  	(tag) =	ssettag $0x2  }
0x71: {  	s0 =	rddreg [dreg:$0x0];
	s2 =	stileid.u32  }
0x72: {  	s1 =	rddreg [dreg:$0x1];
	p0 =	sne.s32 s2, $0x0  }
0x73: {  	s3 =	rddreg [dreg:$0x2];
	[bflag:$0x3] =	sbarrier.arrive $0xFFFF;
	s2 =	simm.s32 @!p0 $0x1C02  }
0x74: {  	[timem:s3], [sflag:s2] =	dma.local @!p0 [hbm:s0], s1  }
0x75: {  	s0 =	simm.s32 @!p0 $0x2  }
0x76: {  	_ =	swait.ge @!p0 [sflag:s0], s1  }
0x77: {  	s1 =	ssub.s32 @!p0 $0x0, s1;
	[sflag:s0] =	ssyncset.done @!p0 $0x0  }
0x78: {  	[sflag:s0] =	ssyncadd.s32 @!p0 s1  }
0x79: {  	[bflag:$0x3] =	sbarrier.arrive $0xFFFF  }
0x7a: {  	_ =	shalt  }

</sc_bundles>
